<compile_context>
chip_gen: v7x
topology: tpu7x:2x2x1
jax: 0.10.2.dev20260603
libtpu: 0.0.44.dev20260713+nightly
codegen_flags: <defaults>
</compile_context>

<pallas_src>
import functools

import jax
import jax.numpy as jnp
import numpy as np
from jax import lax
from jax.experimental import pallas as pl
from jax.experimental.pallas import tpu as pltpu
from jax.experimental.pallas import tpu_sc as plsc

F_ = 26
V = 100000
K = 16
DFF = 128
NLAYERS = 5

_NC = 2
_NS = 16
_NW = _NC * _NS
_CH = 128

_BN = float(1.0 / np.sqrt(1.0 + 1e-5))
_G = 64
_AG = 16


def _sc_gather_w2(tab2, idx8_3d, n_per, n_ch):
    N = _NW * n_per
    mesh = plsc.VectorSubcoreMesh(core_axis_name="c", subcore_axis_name="s")

    @functools.partial(
        pl.kernel,
        mesh=mesh,
        compiler_params=pltpu.CompilerParams(use_tc_tiling_on_sc=True),
        out_type=jax.ShapeDtypeStruct((N, 128), jnp.float32),
        scratch_types=[
            pltpu.VMEM((n_ch, _CH), jnp.int32),
            pltpu.VMEM((_CH, 128), jnp.float32),
            pltpu.SemaphoreType.DMA,
        ],
    )
    def gather_kernel(idx8_hbm, tab2_hbm, out2_hbm, idx8_v, chunk_v, sem2):
        wid = lax.axis_index("s") * _NC + lax.axis_index("c")
        pltpu.sync_copy(idx8_hbm.at[wid], idx8_v)
        base = wid * n_per

        def body(c, carry):
            pltpu.async_copy(
                tab2_hbm.at[idx8_v.at[c]], chunk_v, sem2).wait()
            pltpu.sync_copy(chunk_v, out2_hbm.at[pl.ds(base + c * _CH, _CH)])
            return carry

        lax.fori_loop(0, n_ch, body, 0)

    return gather_kernel(idx8_3d, tab2)


def _sc_gather_w1(tab1, idx3d, n_per, n_ch):
    N = _NW * n_per
    mesh = plsc.VectorSubcoreMesh(core_axis_name="c", subcore_axis_name="s")

    @functools.partial(
        pl.kernel,
        mesh=mesh,
        compiler_params=pltpu.CompilerParams(use_tc_tiling_on_sc=False),
        out_type=jax.ShapeDtypeStruct((N,), jnp.float32),
        scratch_types=[
            pltpu.VMEM((n_ch, _CH), jnp.int32),
            pltpu.VMEM((n_per,), jnp.float32),
            pltpu.SemaphoreType.DMA,
        ],
    )
    def gather_kernel(idx_hbm, tab1_hbm, out1_hbm, idx_v, w1_v, sem1):
        wid = lax.axis_index("s") * _NC + lax.axis_index("c")
        pltpu.sync_copy(idx_hbm.at[wid], idx_v)

        def body(c, carry):
            pltpu.async_copy(
                tab1_hbm.at[idx_v.at[c]],
                w1_v.at[pl.ds(c * _CH, _CH)], sem1).wait()
            return carry

        lax.fori_loop(0, n_ch, body, 0)
        pltpu.sync_copy(w1_v, out1_hbm.at[pl.ds(wid * n_per, n_per)])

    return gather_kernel(idx3d, tab1)


def _dense_body(G, R,
                rows_r, off_r, xv_r, w1_r, pet_r, mask_r, sel_r,
                wqkv_r, bqkv_r, wo_r, bo_r,
                n1a_r, n1b_r, n2a_r, n2b_r,
                fw1_r, fb1_r, fw2_r, fb2_r,
                na_r, nb_r,
                m0t_r, m2t_r, m1t_r, hb_r,
                c1_r, cb1_r, c2_r, cb2_r,
                out_r):
    f32 = jnp.float32

    def nrm(x, a, b):
        m = jnp.mean(x, axis=-1, keepdims=True)
        d = x - m
        var = jnp.sum(d * d, axis=-1, keepdims=True) * (1.0 / (K - 1))
        return a * d / (jnp.sqrt(var) + 1e-6) + b

    packed = rows_r[...]
    off = off_r[...]
    rows = jnp.zeros((R, K), f32)
    for j in range(8):
        rows = rows + jnp.where(off == float(j),
                                packed[:, j * K:(j + 1) * K], 0.0)
    xv = xv_r[...]
    w2 = rows * xv
    sel = sel_r[...]
    ssum = jnp.dot(sel, w2, preferred_element_type=f32)
    sqsum = jnp.dot(sel, w2 * w2, preferred_element_type=f32)
    second = 0.5 * (ssum * ssum - sqsum)
    x = w2 * float(np.sqrt(K)) + pet_r[...]
    mask = mask_r[...]
    for l in range(NLAYERS):
        x2 = nrm(x, n1a_r[l], n1b_r[l])
        qkv = jnp.dot(x2, wqkv_r[l], preferred_element_type=f32) + bqkv_r[l]
        q = qkv[:, 0:K]
        k = qkv[:, K:2 * K]
        v = qkv[:, 2 * K:3 * K]
        rc = _AG * F_
        attc = []
        for ci in range(R // rc):
            qc = q[ci * rc:(ci + 1) * rc, :]
            kc = k[ci * rc:(ci + 1) * rc, :]
            vc = v[ci * rc:(ci + 1) * rc, :]
            s = lax.dot_general(qc, kc, (((1,), (1,)), ((), ())),
                                preferred_element_type=f32)
            s = s * mask
            attc.append(jnp.dot(s, vc, preferred_element_type=f32))
        att = attc[0] if len(attc) == 1 else jnp.concatenate(attc, axis=0)
        att = jnp.dot(att, wo_r[l], preferred_element_type=f32) + bo_r[l]
        x = x + att
        x2 = nrm(x, n2a_r[l], n2b_r[l])
        h = jnp.dot(x2, fw1_r[l], preferred_element_type=f32) + fb1_r[l]
        h = jnp.maximum(h * _BN, 0.0)
        ff = jnp.dot(h, fw2_r[l], preferred_element_type=f32) + fb2_r[l]
        x = x + ff
    x = nrm(x, na_r[...], nb_r[...])
    first_col = w1_r[...] * xv
    a0 = first_col * m0t_r[...]
    m0 = jnp.dot(sel, a0, preferred_element_type=f32)
    m1 = jnp.dot(second, m1t_r[...], preferred_element_type=f32)
    a2c = [jnp.sum(x * m2t_r[o * R:(o + 1) * R, :], axis=-1, keepdims=True)
           for o in range(4)]
    a2 = jnp.concatenate(a2c, axis=1)
    m2 = jnp.dot(sel, a2, preferred_element_type=f32)
    hb = hb_r[...]
    c1 = c1_r[...]
    h = (jnp.dot(m0 + hb[0:1], c1[0:4], preferred_element_type=f32)
         + jnp.dot(m1 + hb[1:2], c1[4:8], preferred_element_type=f32)
         + jnp.dot(m2 + hb[2:3], c1[8:12], preferred_element_type=f32)
         + cb1_r[...])
    h = jnp.maximum(h * _BN, 0.0)
    out_r[...] = jnp.dot(h, c2_r[...], preferred_element_type=f32) + cb2_r[...]


def _dense_forward(packed, off_col, xv_col, w1_col, params, pe, G):
    N = packed.shape[0]
    B = N // F_
    R = G * F_
    f32 = jnp.float32
    enc = params['enc']
    st = lambda key: jnp.stack([p[key] for p in enc])
    wqkv = jnp.concatenate([jnp.swapaxes(st('wq'), 1, 2),
                            jnp.swapaxes(st('wk'), 1, 2),
                            jnp.swapaxes(st('wv'), 1, 2)], axis=2)
    bqkv = jnp.concatenate([st('bq'), st('bk'), st('bv')], axis=1)[:, None, :]
    wo = jnp.swapaxes(st('wo'), 1, 2)
    bo = st('bo')[:, None, :]
    n1a = st('n1_a')[:, None, :]
    n1b = st('n1_b')[:, None, :]
    n2a = st('n2_a')[:, None, :]
    n2b = st('n2_b')[:, None, :]
    fw1 = jnp.swapaxes(st('ffw1'), 1, 2)
    fb1 = st('ffb1')[:, None, :]
    fw2 = jnp.swapaxes(st('ffw2'), 1, 2)
    fb2 = st('ffb2')[:, None, :]
    na = params['norm2_a'][None, :]
    nb = params['norm2_b'][None, :]
    pet = jnp.tile(pe, (G, 1))
    rc = _AG * F_
    segc = np.arange(rc) // F_
    mask = jnp.asarray((segc[:, None] == segc[None, :]).astype(np.float32)
                       * (1.0 / np.sqrt(K)), dtype=f32)
    seg = np.arange(R) // F_
    sel = jnp.asarray((np.arange(G)[:, None] == seg[None, :]).astype(np.float32))
    m0t = jnp.tile(params['m0_w'].T, (G, 1))
    m2t = jnp.tile(params['m2_w'].reshape(4, F_, K), (1, G, 1)).reshape(4 * R, K)
    m1t = params['m1_w'].T
    hb = jnp.stack([params['m0_b'], params['m1_b'], params['m2_b']])
    c1 = params['cls_w1'].T
    cb1 = params['cls_b1'][None, :]
    c2 = params['cls_w2'].T
    cb2 = params['cls_b2'][None, :]

    nblk = B // G
    cst = lambda *shape: pl.BlockSpec(shape, lambda i: (0,) * len(shape))
    grid_spec = pl.GridSpec(
        grid=(nblk,),
        in_specs=[
            pl.BlockSpec((R, 128), lambda i: (i, 0)),
            pl.BlockSpec((R, 1), lambda i: (i, 0)),
            pl.BlockSpec((R, 1), lambda i: (i, 0)),
            pl.BlockSpec((R, 1), lambda i: (i, 0)),
            cst(R, K), cst(_AG * F_, _AG * F_), cst(G, R),
            cst(NLAYERS, K, 3 * K), cst(NLAYERS, 1, 3 * K),
            cst(NLAYERS, K, K), cst(NLAYERS, 1, K),
            cst(NLAYERS, 1, K), cst(NLAYERS, 1, K),
            cst(NLAYERS, 1, K), cst(NLAYERS, 1, K),
            cst(NLAYERS, K, DFF), cst(NLAYERS, 1, DFF),
            cst(NLAYERS, DFF, K), cst(NLAYERS, 1, K),
            cst(1, K), cst(1, K),
            cst(R, 4), cst(4 * R, K), cst(K, 4), cst(3, 4),
            cst(12, DFF), cst(1, DFF), cst(DFF, 2), cst(1, 2),
        ],
        out_specs=pl.BlockSpec((G, 2), lambda i: (i, 0)),
    )
    fn = pl.pallas_call(
        functools.partial(_dense_body, G, R),
        grid_spec=grid_spec,
        out_shape=jax.ShapeDtypeStruct((B, 2), f32),
    )
    return fn(packed, off_col, xv_col, w1_col, pet, mask, sel,
              wqkv, bqkv, wo, bo, n1a, n1b, n2a, n2b,
              fw1, fb1, fw2, fb2, na, nb,
              m0t, m2t, m1t, hb, c1, cb1, c2, cb2)


def kernel(Xi, Xv, params, pe):
    B = Xi.shape[0]
    N = B * F_

    idx = Xi[..., 0].astype(jnp.int32) + (jnp.arange(F_, dtype=jnp.int32) * V)[None, :]
    n_per = N // _NW
    n_ch = n_per // _CH
    idx3d = idx.reshape(_NW, n_ch, _CH)
    idx8_3d = lax.shift_right_logical(idx3d, 3)
    tab2 = params['fm_w2'].reshape(F_ * V // 8, 128)
    tab1 = params['fm_w1'].reshape(F_ * V)
    packed = _sc_gather_w2(tab2, idx8_3d, n_per, n_ch)
    w1flat = _sc_gather_w1(tab1, idx3d, n_per, n_ch)

    off_col = jnp.remainder(idx, 8).astype(jnp.float32).reshape(N, 1)
    xv_col = Xv.reshape(N, 1)
    w1_col = w1flat.reshape(N, 1)
    return _dense_forward(packed, off_col, xv_col, w1_col, params, pe, _G)

# --- scband reference (transcript-rebuilt; emitter-appended) ---
"""Pipeline reference for scband-deep-fm-5016521801879 (READ-ONLY COPY).

The authoritative reference and input builder live on the scoring server;
editing this copy changes nothing except your own understanding.
"""

import jax, jax.numpy as jnp
import numpy as np

F_ = 26
V = 100000
K = 16
DFF = 128
B = 4096
OUT = 4
NLAYERS = 5

def _make_pe(d_model, max_len):
    pe = np.zeros((max_len, d_model), dtype=np.float32)
    for pos in range(max_len):
        for i in range(0, d_model, 2):
            pe[pos, i] = np.sin(pos / 10000 ** (2 * i / d_model))
            pe[pos, i + 1] = np.cos(pos / 10000 ** (2 * (i + 1) / d_model))
    return jnp.asarray(pe)

def setup_inputs(seed: int = 0):
    key = jax.random.key(seed)
    c = [0]
    def nk():
        c[0] += 1
        return jax.random.fold_in(key, c[0])
    Xi = jax.random.randint(nk(), (B, F_, 1), 0, V)
    Xv = jax.random.uniform(nk(), (B, F_), dtype=jnp.float32)
    s = 0.02
    def lin(o, i):
        return s * jax.random.normal(nk(), (o, i), dtype=jnp.float32), jnp.zeros((o,), jnp.float32)
    enc = []
    for _ in range(NLAYERS):
        wq, bq = lin(K, K); wk, bk = lin(K, K); wv, bv = lin(K, K); wo, bo = lin(K, K)
        ffw1, ffb1 = lin(DFF, K); ffw2, ffb2 = lin(K, DFF)
        enc.append(dict(n1_a=jnp.ones((K,), jnp.float32), n1_b=jnp.zeros((K,), jnp.float32),
                        n2_a=jnp.ones((K,), jnp.float32), n2_b=jnp.zeros((K,), jnp.float32),
                        wq=wq, bq=bq, wk=wk, bk=bk, wv=wv, bv=bv, wo=wo, bo=bo,
                        ffw1=ffw1, ffb1=ffb1, ffw2=ffw2, ffb2=ffb2))
    m0_w, m0_b = lin(OUT, F_)
    m1_w, m1_b = lin(OUT, K)
    m2_w, m2_b = lin(OUT, F_ * K)
    cls_w1, cls_b1 = lin(DFF, OUT * 3)
    cls_w2, cls_b2 = lin(2, DFF)
    params = dict(
        fm_w1=s * jax.random.normal(nk(), (F_, V, 1), dtype=jnp.float32),
        fm_w2=s * jax.random.normal(nk(), (F_, V, K), dtype=jnp.float32),
        enc=enc,
        norm2_a=jnp.ones((K,), jnp.float32), norm2_b=jnp.zeros((K,), jnp.float32),
        m0_w=m0_w, m0_b=m0_b, m1_w=m1_w, m1_b=m1_b, m2_w=m2_w, m2_b=m2_b,
        cls_w1=cls_w1, cls_b1=cls_b1, cls_w2=cls_w2, cls_b2=cls_b2)
    return {"Xi": Xi, "Xv": Xv, "params": params, "pe": _make_pe(K, F_)}

def _norm(x, a, b, eps=1e-6):
    m = x.mean(axis=-1, keepdims=True)
    sd = jnp.std(x, axis=-1, keepdims=True, ddof=1)
    return a * (x - m) / (sd + eps) + b

def _bn_eval(x, eps=1e-5):
    return x / jnp.sqrt(1.0 + eps)

def _encoder(x, p):
    x2 = _norm(x, p['n1_a'], p['n1_b'])
    q = x2 @ p['wq'].T + p['bq']
    k = x2 @ p['wk'].T + p['bk']
    v = x2 @ p['wv'].T + p['bv']
    scores = jnp.einsum('bfd,bgd->bfg', q, k) / np.sqrt(K)
    att = jnp.einsum('bfg,bgd->bfd', scores, v)
    att = att @ p['wo'].T + p['bo']
    x = x + att
    x2 = _norm(x, p['n2_a'], p['n2_b'])
    h = x2 @ p['ffw1'].T + p['ffb1']
    h = jax.nn.relu(_bn_eval(h))
    ff = h @ p['ffw2'].T + p['ffb2']
    return x + ff

def _forward(Xi, Xv, params, pe):
    idx = Xi[..., 0]
    far = jnp.arange(F_)[None, :]
    w1 = params['fm_w1'][far, idx][..., 0]
    first = w1 * Xv
    w2 = params['fm_w2'][far, idx] * Xv[..., None]
    ssum = w2.sum(axis=1)
    second = 0.5 * (ssum * ssum - (w2 * w2).sum(axis=1))
    x = w2 * np.sqrt(K) + pe[None, :, :]
    for p in params['enc']:
        x = _encoder(x, p)
    x = _norm(x, params['norm2_a'], params['norm2_b'])
    deep = x.reshape(x.shape[0], -1)
    m0 = first @ params['m0_w'].T + params['m0_b']
    m1 = second @ params['m1_w'].T + params['m1_b']
    m2 = deep @ params['m2_w'].T + params['m2_b']
    cat = jnp.concatenate([m0, m1, m2], axis=1)
    h = cat @ params['cls_w1'].T + params['cls_b1']
    h = jax.nn.relu(_bn_eval(h))
    out = h @ params['cls_w2'].T + params['cls_b2']
    return out

def reference(Xi, Xv, params, pe):
    return _forward(Xi, Xv, params, pe)

if __name__ == "__main__":
    import jax
    _d = setup_inputs()
    print(jax.jit(kernel)(*tuple(_d.values())))

</pallas_src>

<mosaic_0001>
#map = affine_map<(d0, d1) -> (0, 0, 0)>
#map1 = affine_map<(d0, d1) -> (0)>
module attributes {stable_mosaic.version = 14 : i64} {
  func.func @gather_kernel(%arg0: i32, %arg1: i32, %arg2: memref<32x26x128xi32, #tpu.memory_space<hbm>>, %arg3: memref<2600000xf32, #tpu.memory_space<hbm>>, %arg4: memref<106496xf32, #tpu.memory_space<hbm>>, %arg5: memref<26x128xi32, #tpu.memory_space<vmem>>, %arg6: memref<3328xf32, #tpu.memory_space<vmem>>, %arg7: memref<!tpu.dma_semaphore, #tpu.memory_space<semaphore_mem>>) attributes {dimension_semantics = [#tpu.dimension_semantics<core_parallel>, #tpu.dimension_semantics<subcore_parallel>], iteration_bounds = array<i64: 2, 16>, scalar_prefetch = 0 : i64, scratch_operands = 3 : i64, tpu.core_type = #tpu.core_type<sc_vector_subcore>, window_params = [{transform_indices = #map}, {transform_indices = #map1}, {transform_indices = #map1}]} {
    %mul3A = arith.constant 2 : i32
    %mul3A_0 = arith.muli %arg1, %mul3A : i32
    %add3A = arith.addi %mul3A_0, %arg0 : i32
    "tpu.region"() ({
      %run_scoped3A = tpu.sem_alloc : memref<!tpu.dma_semaphore, #tpu.memory_space<semaphore_mem>>
      %dma_start3A = arith.constant 0 : i32
      %dma_start3A_8 = arith.constant 0 : i32
      %dma_start3A_9 = tpu.memref_slice %arg2[%add3A, %dma_start3A, %dma_start3A_8] : memref<32x26x128xi32, #tpu.memory_space<hbm>> -> memref<1x26x128xi32, #tpu.memory_space<hbm>>
      %dma_start3A_10 = tpu.memref_squeeze %dma_start3A_9 : memref<1x26x128xi32, #tpu.memory_space<hbm>> -> memref<26x128xi32, #tpu.memory_space<hbm>>
      %dma_start3A_11 = arith.constant 0 : i32
      %dma_start3A_12 = arith.constant 0 : i32
      %dma_start3A_13 = tpu.memref_slice %arg2[%add3A, %dma_start3A_11, %dma_start3A_12] : memref<32x26x128xi32, #tpu.memory_space<hbm>> -> memref<1x26x128xi32, #tpu.memory_space<hbm>>
      %dma_start3A_14 = tpu.memref_squeeze %dma_start3A_13 : memref<1x26x128xi32, #tpu.memory_space<hbm>> -> memref<26x128xi32, #tpu.memory_space<hbm>>
      tpu.enqueue_dma source(%dma_start3A_14 : memref<26x128xi32, #tpu.memory_space<hbm>>) target(%arg5 : memref<26x128xi32, #tpu.memory_space<vmem>>) target_semaphore(%run_scoped3A : memref<!tpu.dma_semaphore, #tpu.memory_space<semaphore_mem>>)
      %dma_wait3A = arith.constant 0 : i32
      %dma_wait3A_15 = arith.constant 0 : i32
      %dma_wait3A_16 = tpu.memref_slice %arg2[%add3A, %dma_wait3A, %dma_wait3A_15] : memref<32x26x128xi32, #tpu.memory_space<hbm>> -> memref<1x26x128xi32, #tpu.memory_space<hbm>>
      %dma_wait3A_17 = tpu.memref_squeeze %dma_wait3A_16 : memref<1x26x128xi32, #tpu.memory_space<hbm>> -> memref<26x128xi32, #tpu.memory_space<hbm>>
      %dma_wait3A_18 = arith.constant 0 : i32
      %dma_wait3A_19 = arith.constant 0 : i32
      %dma_wait3A_20 = tpu.memref_slice %arg2[%add3A, %dma_wait3A_18, %dma_wait3A_19] : memref<32x26x128xi32, #tpu.memory_space<hbm>> -> memref<1x26x128xi32, #tpu.memory_space<hbm>>
      %dma_wait3A_21 = tpu.memref_squeeze %dma_wait3A_20 : memref<1x26x128xi32, #tpu.memory_space<hbm>> -> memref<26x128xi32, #tpu.memory_space<hbm>>
      tpu.wait_dma2 semaphore(%run_scoped3A : memref<!tpu.dma_semaphore, #tpu.memory_space<semaphore_mem>>) src(%dma_wait3A_21 : memref<26x128xi32, #tpu.memory_space<hbm>>) dst(%arg5 : memref<26x128xi32, #tpu.memory_space<vmem>>)
      tpu.yield
    }) : () -> ()
    %scan3A = arith.constant 0 : i32
    %scan3A_1 = arith.constant 0 : i32
    %scan3A_2 = arith.constant 26 : i32
    %scan3A_3 = arith.addi %scan3A_1, %scan3A_2 : i32
    %scan3A_4 = arith.constant 1 : i32
    scf.for %scan3A_8 = %scan3A_1 to %scan3A_3 step %scan3A_4  : i32 {
      %mul3A_9 = arith.constant 128 : i32
      %mul3A_10 = arith.muli %scan3A_8, %mul3A_9 : i32
      %dma_start3A = tpu.memref_slice %arg6[%mul3A_10] : memref<3328xf32, #tpu.memory_space<vmem>> -> memref<128xf32, #tpu.memory_space<vmem>>
      %dma_start3A_11 = arith.constant 0 : i32
      %dma_start3A_12 = tpu.memref_slice %arg5[%scan3A_8, %dma_start3A_11] : memref<26x128xi32, #tpu.memory_space<vmem>> -> memref<1x128xi32, #tpu.memory_space<vmem>>
      %dma_start3A_13 = tpu.memref_squeeze %dma_start3A_12 : memref<1x128xi32, #tpu.memory_space<vmem>> -> memref<128xi32, #tpu.memory_space<vmem>>
      %dma_start3A_14 = arith.constant 0 : i32
      %dma_start3A_15 = tpu.memref_slice %arg3[%dma_start3A_14] : memref<2600000xf32, #tpu.memory_space<hbm>> -> memref<2600000xf32, #tpu.memory_space<hbm>>
      tpu.enqueue_indirect_dma source(%dma_start3A_15 : memref<2600000xf32, #tpu.memory_space<hbm>>) target(%dma_start3A : memref<128xf32, #tpu.memory_space<vmem>>) offsets(%dma_start3A_13 : memref<128xi32, #tpu.memory_space<vmem>>) semaphore(%arg7 : memref<!tpu.dma_semaphore, #tpu.memory_space<semaphore_mem>>)
      %dma_wait3A = tpu.memref_slice %arg6[%mul3A_10] : memref<3328xf32, #tpu.memory_space<vmem>> -> memref<128xf32, #tpu.memory_space<vmem>>
      %dma_wait3A_16 = arith.constant 0 : i32
      %dma_wait3A_17 = tpu.memref_slice %arg5[%scan3A_8, %dma_wait3A_16] : memref<26x128xi32, #tpu.memory_space<vmem>> -> memref<1x128xi32, #tpu.memory_space<vmem>>
      %dma_wait3A_18 = tpu.memref_squeeze %dma_wait3A_17 : memref<1x128xi32, #tpu.memory_space<vmem>> -> memref<128xi32, #tpu.memory_space<vmem>>
      %dma_wait3A_19 = arith.constant 0 : i32
      %dma_wait3A_20 = tpu.memref_slice %arg3[%dma_wait3A_19] : memref<2600000xf32, #tpu.memory_space<hbm>> -> memref<2600000xf32, #tpu.memory_space<hbm>>
      tpu.wait_indirect_dma semaphore(%arg7 : memref<!tpu.dma_semaphore, #tpu.memory_space<semaphore_mem>>) src(%dma_wait3A_20 : memref<2600000xf32, #tpu.memory_space<hbm>>) dst(%dma_wait3A : memref<128xf32, #tpu.memory_space<vmem>>)
    }
    %scan3A_5 = arith.constant 26 : i32
    %mul3A_6 = arith.constant 3328 : i32
    %mul3A_7 = arith.muli %add3A, %mul3A_6 : i32
    "tpu.region"() ({
      %run_scoped3A = tpu.sem_alloc : memref<!tpu.dma_semaphore, #tpu.memory_space<semaphore_mem>>
      %dma_start3A = tpu.memref_slice %arg4[%mul3A_7] : memref<106496xf32, #tpu.memory_space<hbm>> -> memref<3328xf32, #tpu.memory_space<hbm>>
      %dma_start3A_8 = tpu.memref_slice %arg4[%mul3A_7] : memref<106496xf32, #tpu.memory_space<hbm>> -> memref<3328xf32, #tpu.memory_space<hbm>>
      tpu.enqueue_dma source(%arg6 : memref<3328xf32, #tpu.memory_space<vmem>>) target(%dma_start3A_8 : memref<3328xf32, #tpu.memory_space<hbm>>) target_semaphore(%run_scoped3A : memref<!tpu.dma_semaphore, #tpu.memory_space<semaphore_mem>>)
      %dma_wait3A = tpu.memref_slice %arg4[%mul3A_7] : memref<106496xf32, #tpu.memory_space<hbm>> -> memref<3328xf32, #tpu.memory_space<hbm>>
      %dma_wait3A_9 = tpu.memref_slice %arg4[%mul3A_7] : memref<106496xf32, #tpu.memory_space<hbm>> -> memref<3328xf32, #tpu.memory_space<hbm>>
      tpu.wait_dma2 semaphore(%run_scoped3A : memref<!tpu.dma_semaphore, #tpu.memory_space<semaphore_mem>>) src(%arg6 : memref<3328xf32, #tpu.memory_space<vmem>>) dst(%dma_wait3A_9 : memref<3328xf32, #tpu.memory_space<hbm>>)
      tpu.yield
    }) : () -> ()
    return
  }
}

#map = affine_map<(d0, d1) -> (0, 0, 0)>
#map1 = affine_map<(d0, d1) -> (0, 0)>
module attributes {stable_mosaic.version = 14 : i64} {
  func.func @gather_kernel(%arg0: i32, %arg1: i32, %arg2: memref<32x26x128xi32, #tpu.memory_space<hbm>>, %arg3: memref<325000x128xf32, #tpu.memory_space<hbm>>, %arg4: memref<106496x128xf32, #tpu.memory_space<hbm>>, %arg5: memref<26x128xi32, #tpu.memory_space<vmem>>, %arg6: memref<128x128xf32, #tpu.memory_space<vmem>>, %arg7: memref<!tpu.dma_semaphore, #tpu.memory_space<semaphore_mem>>) attributes {dimension_semantics = [#tpu.dimension_semantics<core_parallel>, #tpu.dimension_semantics<subcore_parallel>], iteration_bounds = array<i64: 2, 16>, scalar_prefetch = 0 : i64, scratch_operands = 3 : i64, tpu.core_type = #tpu.core_type<sc_vector_subcore>, window_params = [{transform_indices = #map}, {transform_indices = #map1}, {transform_indices = #map1}]} {
    %mul3A = arith.constant 2 : i32
    %mul3A_0 = arith.muli %arg1, %mul3A : i32
    %add3A = arith.addi %mul3A_0, %arg0 : i32
    "tpu.region"() ({
      %run_scoped3A = tpu.sem_alloc : memref<!tpu.dma_semaphore, #tpu.memory_space<semaphore_mem>>
      %dma_start3A = arith.constant 0 : i32
      %dma_start3A_8 = arith.constant 0 : i32
      %dma_start3A_9 = tpu.memref_slice %arg2[%add3A, %dma_start3A, %dma_start3A_8] : memref<32x26x128xi32, #tpu.memory_space<hbm>> -> memref<1x26x128xi32, #tpu.memory_space<hbm>>
      %dma_start3A_10 = tpu.memref_squeeze %dma_start3A_9 : memref<1x26x128xi32, #tpu.memory_space<hbm>> -> memref<26x128xi32, #tpu.memory_space<hbm>>
      %dma_start3A_11 = arith.constant 0 : i32
      %dma_start3A_12 = arith.constant 0 : i32
      %dma_start3A_13 = tpu.memref_slice %arg2[%add3A, %dma_start3A_11, %dma_start3A_12] : memref<32x26x128xi32, #tpu.memory_space<hbm>> -> memref<1x26x128xi32, #tpu.memory_space<hbm>>
      %dma_start3A_14 = tpu.memref_squeeze %dma_start3A_13 : memref<1x26x128xi32, #tpu.memory_space<hbm>> -> memref<26x128xi32, #tpu.memory_space<hbm>>
      tpu.enqueue_dma source(%dma_start3A_14 : memref<26x128xi32, #tpu.memory_space<hbm>>) target(%arg5 : memref<26x128xi32, #tpu.memory_space<vmem>>) target_semaphore(%run_scoped3A : memref<!tpu.dma_semaphore, #tpu.memory_space<semaphore_mem>>)
      %dma_wait3A = arith.constant 0 : i32
      %dma_wait3A_15 = arith.constant 0 : i32
      %dma_wait3A_16 = tpu.memref_slice %arg2[%add3A, %dma_wait3A, %dma_wait3A_15] : memref<32x26x128xi32, #tpu.memory_space<hbm>> -> memref<1x26x128xi32, #tpu.memory_space<hbm>>
      %dma_wait3A_17 = tpu.memref_squeeze %dma_wait3A_16 : memref<1x26x128xi32, #tpu.memory_space<hbm>> -> memref<26x128xi32, #tpu.memory_space<hbm>>
      %dma_wait3A_18 = arith.constant 0 : i32
      %dma_wait3A_19 = arith.constant 0 : i32
      %dma_wait3A_20 = tpu.memref_slice %arg2[%add3A, %dma_wait3A_18, %dma_wait3A_19] : memref<32x26x128xi32, #tpu.memory_space<hbm>> -> memref<1x26x128xi32, #tpu.memory_space<hbm>>
      %dma_wait3A_21 = tpu.memref_squeeze %dma_wait3A_20 : memref<1x26x128xi32, #tpu.memory_space<hbm>> -> memref<26x128xi32, #tpu.memory_space<hbm>>
      tpu.wait_dma2 semaphore(%run_scoped3A : memref<!tpu.dma_semaphore, #tpu.memory_space<semaphore_mem>>) src(%dma_wait3A_21 : memref<26x128xi32, #tpu.memory_space<hbm>>) dst(%arg5 : memref<26x128xi32, #tpu.memory_space<vmem>>)
      tpu.yield
    }) : () -> ()
    %mul3A_1 = arith.constant 3328 : i32
    %mul3A_2 = arith.muli %add3A, %mul3A_1 : i32
    %scan3A = arith.constant 0 : i32
    %scan3A_3 = arith.constant 0 : i32
    %scan3A_4 = arith.constant 26 : i32
    %scan3A_5 = arith.addi %scan3A_3, %scan3A_4 : i32
    %scan3A_6 = arith.constant 1 : i32
    scf.for %scan3A_8 = %scan3A_3 to %scan3A_5 step %scan3A_6  : i32 {
      %dma_start3A = arith.constant 0 : i32
      %dma_start3A_9 = tpu.memref_slice %arg5[%scan3A_8, %dma_start3A] : memref<26x128xi32, #tpu.memory_space<vmem>> -> memref<1x128xi32, #tpu.memory_space<vmem>>
      %dma_start3A_10 = tpu.memref_squeeze %dma_start3A_9 : memref<1x128xi32, #tpu.memory_space<vmem>> -> memref<128xi32, #tpu.memory_space<vmem>>
      %dma_start3A_11 = arith.constant 0 : i32
      %dma_start3A_12 = arith.constant 0 : i32
      %dma_start3A_13 = tpu.memref_slice %arg3[%dma_start3A_11, %dma_start3A_12] : memref<325000x128xf32, #tpu.memory_space<hbm>> -> memref<325000x128xf32, #tpu.memory_space<hbm>>
      tpu.enqueue_indirect_dma source(%dma_start3A_13 : memref<325000x128xf32, #tpu.memory_space<hbm>>) target(%arg6 : memref<128x128xf32, #tpu.memory_space<vmem>>) offsets(%dma_start3A_10 : memref<128xi32, #tpu.memory_space<vmem>>) semaphore(%arg7 : memref<!tpu.dma_semaphore, #tpu.memory_space<semaphore_mem>>)
      %dma_wait3A = arith.constant 0 : i32
      %dma_wait3A_14 = tpu.memref_slice %arg5[%scan3A_8, %dma_wait3A] : memref<26x128xi32, #tpu.memory_space<vmem>> -> memref<1x128xi32, #tpu.memory_space<vmem>>
      %dma_wait3A_15 = tpu.memref_squeeze %dma_wait3A_14 : memref<1x128xi32, #tpu.memory_space<vmem>> -> memref<128xi32, #tpu.memory_space<vmem>>
      %dma_wait3A_16 = arith.constant 0 : i32
      %dma_wait3A_17 = arith.constant 0 : i32
      %dma_wait3A_18 = tpu.memref_slice %arg3[%dma_wait3A_16, %dma_wait3A_17] : memref<325000x128xf32, #tpu.memory_space<hbm>> -> memref<325000x128xf32, #tpu.memory_space<hbm>>
      tpu.wait_indirect_dma semaphore(%arg7 : memref<!tpu.dma_semaphore, #tpu.memory_space<semaphore_mem>>) src(%dma_wait3A_18 : memref<325000x128xf32, #tpu.memory_space<hbm>>) dst(%arg6 : memref<128x128xf32, #tpu.memory_space<vmem>>)
      %mul3A_19 = arith.constant 128 : i32
      %mul3A_20 = arith.muli %scan3A_8, %mul3A_19 : i32
      %add3A_21 = arith.addi %mul3A_2, %mul3A_20 : i32
      "tpu.region"() ({
        %run_scoped3A = tpu.sem_alloc : memref<!tpu.dma_semaphore, #tpu.memory_space<semaphore_mem>>
        %dma_start3A_22 = arith.constant 0 : i32
        %dma_start3A_23 = tpu.memref_slice %arg4[%add3A_21, %dma_start3A_22] : memref<106496x128xf32, #tpu.memory_space<hbm>> -> memref<128x128xf32, #tpu.memory_space<hbm>>
        %dma_start3A_24 = arith.constant 0 : i32
        %dma_start3A_25 = tpu.memref_slice %arg4[%add3A_21, %dma_start3A_24] : memref<106496x128xf32, #tpu.memory_space<hbm>> -> memref<128x128xf32, #tpu.memory_space<hbm>>
        tpu.enqueue_dma source(%arg6 : memref<128x128xf32, #tpu.memory_space<vmem>>) target(%dma_start3A_25 : memref<128x128xf32, #tpu.memory_space<hbm>>) target_semaphore(%run_scoped3A : memref<!tpu.dma_semaphore, #tpu.memory_space<semaphore_mem>>)
        %dma_wait3A_26 = arith.constant 0 : i32
        %dma_wait3A_27 = tpu.memref_slice %arg4[%add3A_21, %dma_wait3A_26] : memref<106496x128xf32, #tpu.memory_space<hbm>> -> memref<128x128xf32, #tpu.memory_space<hbm>>
        %dma_wait3A_28 = arith.constant 0 : i32
        %dma_wait3A_29 = tpu.memref_slice %arg4[%add3A_21, %dma_wait3A_28] : memref<106496x128xf32, #tpu.memory_space<hbm>> -> memref<128x128xf32, #tpu.memory_space<hbm>>
        tpu.wait_dma2 semaphore(%run_scoped3A : memref<!tpu.dma_semaphore, #tpu.memory_space<semaphore_mem>>) src(%arg6 : memref<128x128xf32, #tpu.memory_space<vmem>>) dst(%dma_wait3A_29 : memref<128x128xf32, #tpu.memory_space<hbm>>)
        tpu.yield
      }) : () -> ()
    }
    %scan3A_7 = arith.constant 26 : i32
    return
  }
}

module attributes {stable_mosaic.version = 14 : i64} {
  func.func @_dense_body(%arg0: i32, %arg1: memref<1664x128xf32, #tpu.memory_space<vmem>>, %arg2: memref<1664x1xf32, #tpu.memory_space<vmem>>, %arg3: memref<1664x1xf32, #tpu.memory_space<vmem>>, %arg4: memref<1664x1xf32, #tpu.memory_space<vmem>>, %arg5: memref<1664x16xf32, #tpu.memory_space<vmem>>, %arg6: memref<416x416xf32, #tpu.memory_space<vmem>>, %arg7: memref<64x1664xf32, #tpu.memory_space<vmem>>, %arg8: memref<5x16x48xf32, #tpu.memory_space<vmem>>, %arg9: memref<5x1x48xf32, #tpu.memory_space<vmem>>, %arg10: memref<5x16x16xf32, #tpu.memory_space<vmem>>, %arg11: memref<5x1x16xf32, #tpu.memory_space<vmem>>, %arg12: memref<5x1x16xf32, #tpu.memory_space<vmem>>, %arg13: memref<5x1x16xf32, #tpu.memory_space<vmem>>, %arg14: memref<5x1x16xf32, #tpu.memory_space<vmem>>, %arg15: memref<5x1x16xf32, #tpu.memory_space<vmem>>, %arg16: memref<5x16x128xf32, #tpu.memory_space<vmem>>, %arg17: memref<5x1x128xf32, #tpu.memory_space<vmem>>, %arg18: memref<5x128x16xf32, #tpu.memory_space<vmem>>, %arg19: memref<5x1x16xf32, #tpu.memory_space<vmem>>, %arg20: memref<1x16xf32, #tpu.memory_space<vmem>>, %arg21: memref<1x16xf32, #tpu.memory_space<vmem>>, %arg22: memref<1664x4xf32, #tpu.memory_space<vmem>>, %arg23: memref<6656x16xf32, #tpu.memory_space<vmem>>, %arg24: memref<16x4xf32, #tpu.memory_space<vmem>>, %arg25: memref<3x4xf32, #tpu.memory_space<vmem>>, %arg26: memref<12x128xf32, #tpu.memory_space<vmem>>, %arg27: memref<1x128xf32, #tpu.memory_space<vmem>>, %arg28: memref<128x2xf32, #tpu.memory_space<vmem>>, %arg29: memref<1x2xf32, #tpu.memory_space<vmem>>, %arg30: memref<64x2xf32, #tpu.memory_space<vmem>>) attributes {dimension_semantics = [#tpu.dimension_semantics<arbitrary>], iteration_bounds = array<i64: 64>, scalar_prefetch = 0 : i64, scratch_operands = 0 : i64, tpu.core_type = #tpu.core_type<tc>, window_params = [{transform_indices = @transform_0, window_bounds = array<i64: 1664, 128>}, {transform_indices = @transform_1, window_bounds = array<i64: 1664, 1>}, {transform_indices = @transform_2, window_bounds = array<i64: 1664, 1>}, {transform_indices = @transform_3, window_bounds = array<i64: 1664, 1>}, {pipeline_mode = #tpu.pipeline_mode<synchronous>, transform_indices = @transform_4, window_bounds = array<i64: 1664, 16>}, {pipeline_mode = #tpu.pipeline_mode<synchronous>, transform_indices = @transform_5, window_bounds = array<i64: 416, 416>}, {pipeline_mode = #tpu.pipeline_mode<synchronous>, transform_indices = @transform_6, window_bounds = array<i64: 64, 1664>}, {pipeline_mode = #tpu.pipeline_mode<synchronous>, transform_indices = @transform_7, window_bounds = array<i64: 5, 16, 48>}, {pipeline_mode = #tpu.pipeline_mode<synchronous>, transform_indices = @transform_8, window_bounds = array<i64: 5, 1, 48>}, {pipeline_mode = #tpu.pipeline_mode<synchronous>, transform_indices = @transform_9, window_bounds = array<i64: 5, 16, 16>}, {pipeline_mode = #tpu.pipeline_mode<synchronous>, transform_indices = @transform_10, window_bounds = array<i64: 5, 1, 16>}, {pipeline_mode = #tpu.pipeline_mode<synchronous>, transform_indices = @transform_11, window_bounds = array<i64: 5, 1, 16>}, {pipeline_mode = #tpu.pipeline_mode<synchronous>, transform_indices = @transform_12, window_bounds = array<i64: 5, 1, 16>}, {pipeline_mode = #tpu.pipeline_mode<synchronous>, transform_indices = @transform_13, window_bounds = array<i64: 5, 1, 16>}, {pipeline_mode = #tpu.pipeline_mode<synchronous>, transform_indices = @transform_14, window_bounds = array<i64: 5, 1, 16>}, {pipeline_mode = #tpu.pipeline_mode<synchronous>, transform_indices = @transform_15, window_bounds = array<i64: 5, 16, 128>}, {pipeline_mode = #tpu.pipeline_mode<synchronous>, transform_indices = @transform_16, window_bounds = array<i64: 5, 1, 128>}, {pipeline_mode = #tpu.pipeline_mode<synchronous>, transform_indices = @transform_17, window_bounds = array<i64: 5, 128, 16>}, {pipeline_mode = #tpu.pipeline_mode<synchronous>, transform_indices = @transform_18, window_bounds = array<i64: 5, 1, 16>}, {pipeline_mode = #tpu.pipeline_mode<synchronous>, transform_indices = @transform_19, window_bounds = array<i64: 1, 16>}, {pipeline_mode = #tpu.pipeline_mode<synchronous>, transform_indices = @transform_20, window_bounds = array<i64: 1, 16>}, {pipeline_mode = #tpu.pipeline_mode<synchronous>, transform_indices = @transform_21, window_bounds = array<i64: 1664, 4>}, {pipeline_mode = #tpu.pipeline_mode<synchronous>, transform_indices = @transform_22, window_bounds = array<i64: 6656, 16>}, {pipeline_mode = #tpu.pipeline_mode<synchronous>, transform_indices = @transform_23, window_bounds = array<i64: 16, 4>}, {pipeline_mode = #tpu.pipeline_mode<synchronous>, transform_indices = @transform_24, window_bounds = array<i64: 3, 4>}, {pipeline_mode = #tpu.pipeline_mode<synchronous>, transform_indices = @transform_25, window_bounds = array<i64: 12, 128>}, {pipeline_mode = #tpu.pipeline_mode<synchronous>, transform_indices = @transform_26, window_bounds = array<i64: 1, 128>}, {pipeline_mode = #tpu.pipeline_mode<synchronous>, transform_indices = @transform_27, window_bounds = array<i64: 128, 2>}, {pipeline_mode = #tpu.pipeline_mode<synchronous>, transform_indices = @transform_28, window_bounds = array<i64: 1, 2>}, {transform_indices = @transform_29, window_bounds = array<i64: 64, 2>}]} {
    %get3A = arith.constant 0 : index
    %get3A_0 = arith.constant 0 : index
    %get3A_1 = vector.load %arg1[%get3A, %get3A_0] : memref<1664x128xf32, #tpu.memory_space<vmem>>, vector<1664x128xf32>
    %get3A_2 = arith.constant 0 : index
    %get3A_3 = arith.constant 0 : index
    %get3A_4 = vector.load %arg2[%get3A_2, %get3A_3] : memref<1664x1xf32, #tpu.memory_space<vmem>>, vector<1664x1xf32>
    %broadcast_in_dim3A = arith.constant 0.000000e+00 : f32
    %broadcast_in_dim3A_5 = vector.broadcast %broadcast_in_dim3A : f32 to vector<1664x16xf32>
    %eq3A = arith.constant 0.000000e+00 : f32
    %eq3A_6 = vector.broadcast %eq3A : f32 to vector<1664x1xf32>
    %eq3A_7 = arith.cmpf oeq, %get3A_4, %eq3A_6 : vector<1664x1xf32>
    %slice3A = vector.extract_strided_slice %get3A_1 {offsets = [0, 0], sizes = [1664, 16], strides = [1, 1]} : vector<1664x128xf32> to vector<1664x16xf32>
    %jit3A = arith.constant 0.000000e+00 : f32
    %broadcast_in_dim3A_8 = vector.shape_cast %eq3A_7 : vector<1664x1xi1> to vector<1664x1xi1>
    %broadcast_in_dim3A_9 = vector.broadcast %broadcast_in_dim3A_8 : vector<1664x1xi1> to vector<1664x16xi1>
    %broadcast_in_dim3A_10 = vector.broadcast %jit3A : f32 to vector<1664x16xf32>
    %select_n3A = arith.select %broadcast_in_dim3A_9, %slice3A, %broadcast_in_dim3A_10 : vector<1664x16xi1>, vector<1664x16xf32>
    %add3A = arith.addf %broadcast_in_dim3A_5, %select_n3A : vector<1664x16xf32>
    %eq3A_11 = arith.constant 1.000000e+00 : f32
    %eq3A_12 = vector.broadcast %eq3A_11 : f32 to vector<1664x1xf32>
    %eq3A_13 = arith.cmpf oeq, %get3A_4, %eq3A_12 : vector<1664x1xf32>
    %slice3A_14 = vector.extract_strided_slice %get3A_1 {offsets = [0, 16], sizes = [1664, 16], strides = [1, 1]} : vector<1664x128xf32> to vector<1664x16xf32>
    %jit3A_15 = arith.constant 0.000000e+00 : f32
    %broadcast_in_dim3A_16 = vector.shape_cast %eq3A_13 : vector<1664x1xi1> to vector<1664x1xi1>
    %broadcast_in_dim3A_17 = vector.broadcast %broadcast_in_dim3A_16 : vector<1664x1xi1> to vector<1664x16xi1>
    %broadcast_in_dim3A_18 = vector.broadcast %jit3A_15 : f32 to vector<1664x16xf32>
    %select_n3A_19 = arith.select %broadcast_in_dim3A_17, %slice3A_14, %broadcast_in_dim3A_18 : vector<1664x16xi1>, vector<1664x16xf32>
    %add3A_20 = arith.addf %add3A, %select_n3A_19 : vector<1664x16xf32>
    %eq3A_21 = arith.constant 2.000000e+00 : f32
    %eq3A_22 = vector.broadcast %eq3A_21 : f32 to vector<1664x1xf32>
    %eq3A_23 = arith.cmpf oeq, %get3A_4, %eq3A_22 : vector<1664x1xf32>
    %slice3A_24 = vector.extract_strided_slice %get3A_1 {offsets = [0, 32], sizes = [1664, 16], strides = [1, 1]} : vector<1664x128xf32> to vector<1664x16xf32>
    %jit3A_25 = arith.constant 0.000000e+00 : f32
    %broadcast_in_dim3A_26 = vector.shape_cast %eq3A_23 : vector<1664x1xi1> to vector<1664x1xi1>
    %broadcast_in_dim3A_27 = vector.broadcast %broadcast_in_dim3A_26 : vector<1664x1xi1> to vector<1664x16xi1>
    %broadcast_in_dim3A_28 = vector.broadcast %jit3A_25 : f32 to vector<1664x16xf32>
    %select_n3A_29 = arith.select %broadcast_in_dim3A_27, %slice3A_24, %broadcast_in_dim3A_28 : vector<1664x16xi1>, vector<1664x16xf32>
    %add3A_30 = arith.addf %add3A_20, %select_n3A_29 : vector<1664x16xf32>
    %eq3A_31 = arith.constant 3.000000e+00 : f32
    %eq3A_32 = vector.broadcast %eq3A_31 : f32 to vector<1664x1xf32>
    %eq3A_33 = arith.cmpf oeq, %get3A_4, %eq3A_32 : vector<1664x1xf32>
    %slice3A_34 = vector.extract_strided_slice %get3A_1 {offsets = [0, 48], sizes = [1664, 16], strides = [1, 1]} : vector<1664x128xf32> to vector<1664x16xf32>
    %jit3A_35 = arith.constant 0.000000e+00 : f32
    %broadcast_in_dim3A_36 = vector.shape_cast %eq3A_33 : vector<1664x1xi1> to vector<1664x1xi1>
    %broadcast_in_dim3A_37 = vector.broadcast %broadcast_in_dim3A_36 : vector<1664x1xi1> to vector<1664x16xi1>
    %broadcast_in_dim3A_38 = vector.broadcast %jit3A_35 : f32 to vector<1664x16xf32>
    %select_n3A_39 = arith.select %broadcast_in_dim3A_37, %slice3A_34, %broadcast_in_dim3A_38 : vector<1664x16xi1>, vector<1664x16xf32>
    %add3A_40 = arith.addf %add3A_30, %select_n3A_39 : vector<1664x16xf32>
    %eq3A_41 = arith.constant 4.000000e+00 : f32
    %eq3A_42 = vector.broadcast %eq3A_41 : f32 to vector<1664x1xf32>
    %eq3A_43 = arith.cmpf oeq, %get3A_4, %eq3A_42 : vector<1664x1xf32>
    %slice3A_44 = vector.extract_strided_slice %get3A_1 {offsets = [0, 64], sizes = [1664, 16], strides = [1, 1]} : vector<1664x128xf32> to vector<1664x16xf32>
    %jit3A_45 = arith.constant 0.000000e+00 : f32
    %broadcast_in_dim3A_46 = vector.shape_cast %eq3A_43 : vector<1664x1xi1> to vector<1664x1xi1>
    %broadcast_in_dim3A_47 = vector.broadcast %broadcast_in_dim3A_46 : vector<1664x1xi1> to vector<1664x16xi1>
    %broadcast_in_dim3A_48 = vector.broadcast %jit3A_45 : f32 to vector<1664x16xf32>
    %select_n3A_49 = arith.select %broadcast_in_dim3A_47, %slice3A_44, %broadcast_in_dim3A_48 : vector<1664x16xi1>, vector<1664x16xf32>
    %add3A_50 = arith.addf %add3A_40, %select_n3A_49 : vector<1664x16xf32>
    %eq3A_51 = arith.constant 5.000000e+00 : f32
    %eq3A_52 = vector.broadcast %eq3A_51 : f32 to vector<1664x1xf32>
    %eq3A_53 = arith.cmpf oeq, %get3A_4, %eq3A_52 : vector<1664x1xf32>
    %slice3A_54 = vector.extract_strided_slice %get3A_1 {offsets = [0, 80], sizes = [1664, 16], strides = [1, 1]} : vector<1664x128xf32> to vector<1664x16xf32>
    %jit3A_55 = arith.constant 0.000000e+00 : f32
    %broadcast_in_dim3A_56 = vector.shape_cast %eq3A_53 : vector<1664x1xi1> to vector<1664x1xi1>
    %broadcast_in_dim3A_57 = vector.broadcast %broadcast_in_dim3A_56 : vector<1664x1xi1> to vector<1664x16xi1>
    %broadcast_in_dim3A_58 = vector.broadcast %jit3A_55 : f32 to vector<1664x16xf32>
    %select_n3A_59 = arith.select %broadcast_in_dim3A_57, %slice3A_54, %broadcast_in_dim3A_58 : vector<1664x16xi1>, vector<1664x16xf32>
    %add3A_60 = arith.addf %add3A_50, %select_n3A_59 : vector<1664x16xf32>
    %eq3A_61 = arith.constant 6.000000e+00 : f32
    %eq3A_62 = vector.broadcast %eq3A_61 : f32 to vector<1664x1xf32>
    %eq3A_63 = arith.cmpf oeq, %get3A_4, %eq3A_62 : vector<1664x1xf32>
    %slice3A_64 = vector.extract_strided_slice %get3A_1 {offsets = [0, 96], sizes = [1664, 16], strides = [1, 1]} : vector<1664x128xf32> to vector<1664x16xf32>
    %jit3A_65 = arith.constant 0.000000e+00 : f32
    %broadcast_in_dim3A_66 = vector.shape_cast %eq3A_63 : vector<1664x1xi1> to vector<1664x1xi1>
    %broadcast_in_dim3A_67 = vector.broadcast %broadcast_in_dim3A_66 : vector<1664x1xi1> to vector<1664x16xi1>
    %broadcast_in_dim3A_68 = vector.broadcast %jit3A_65 : f32 to vector<1664x16xf32>
    %select_n3A_69 = arith.select %broadcast_in_dim3A_67, %slice3A_64, %broadcast_in_dim3A_68 : vector<1664x16xi1>, vector<1664x16xf32>
    %add3A_70 = arith.addf %add3A_60, %select_n3A_69 : vector<1664x16xf32>
    %eq3A_71 = arith.constant 7.000000e+00 : f32
    %eq3A_72 = vector.broadcast %eq3A_71 : f32 to vector<1664x1xf32>
    %eq3A_73 = arith.cmpf oeq, %get3A_4, %eq3A_72 : vector<1664x1xf32>
    %slice3A_74 = vector.extract_strided_slice %get3A_1 {offsets = [0, 112], sizes = [1664, 16], strides = [1, 1]} : vector<1664x128xf32> to vector<1664x16xf32>
    %jit3A_75 = arith.constant 0.000000e+00 : f32
    %broadcast_in_dim3A_76 = vector.shape_cast %eq3A_73 : vector<1664x1xi1> to vector<1664x1xi1>
    %broadcast_in_dim3A_77 = vector.broadcast %broadcast_in_dim3A_76 : vector<1664x1xi1> to vector<1664x16xi1>
    %broadcast_in_dim3A_78 = vector.broadcast %jit3A_75 : f32 to vector<1664x16xf32>
    %select_n3A_79 = arith.select %broadcast_in_dim3A_77, %slice3A_74, %broadcast_in_dim3A_78 : vector<1664x16xi1>, vector<1664x16xf32>
    %add3A_80 = arith.addf %add3A_70, %select_n3A_79 : vector<1664x16xf32>
    %get3A_81 = arith.constant 0 : index
    %get3A_82 = arith.constant 0 : index
    %get3A_83 = vector.load %arg3[%get3A_81, %get3A_82] : memref<1664x1xf32, #tpu.memory_space<vmem>>, vector<1664x1xf32>
    %mul3A = vector.broadcast %get3A_83 : vector<1664x1xf32> to vector<1664x16xf32>
    %mul3A_84 = arith.mulf %add3A_80, %mul3A : vector<1664x16xf32>
    %get3A_85 = arith.constant 0 : index
    %get3A_86 = arith.constant 0 : index
    %get3A_87 = vector.load %arg7[%get3A_85, %get3A_86] : memref<64x1664xf32, #tpu.memory_space<vmem>>, vector<64x1664xf32>
    %dot_general3A = arith.constant dense<0.000000e+00> : vector<64x16xf32>
    %dot_general3A_88 = tpu.matmul %get3A_87, %mul3A_84, %dot_general3A {dimension_numbers = #tpu.dot_dimension_numbers<[1], [0], [0], [1], [0, 0, 1, 1], [], []>, transpose_lhs_hint = false} : vector<64x1664xf32>, vector<1664x16xf32>, vector<64x16xf32> -> vector<64x16xf32>
    %mul3A_89 = arith.mulf %mul3A_84, %mul3A_84 : vector<1664x16xf32>
    %dot_general3A_90 = arith.constant dense<0.000000e+00> : vector<64x16xf32>
    %dot_general3A_91 = tpu.matmul %get3A_87, %mul3A_89, %dot_general3A_90 {dimension_numbers = #tpu.dot_dimension_numbers<[1], [0], [0], [1], [0, 0, 1, 1], [], []>, transpose_lhs_hint = false} : vector<64x1664xf32>, vector<1664x16xf32>, vector<64x16xf32> -> vector<64x16xf32>
    %mul3A_92 = arith.mulf %dot_general3A_88, %dot_general3A_88 : vector<64x16xf32>
    %sub3A = arith.subf %mul3A_92, %dot_general3A_91 : vector<64x16xf32>
    %mul3A_93 = arith.constant 5.000000e-01 : f32
    %mul3A_94 = vector.broadcast %mul3A_93 : f32 to vector<64x16xf32>
    %mul3A_95 = arith.mulf %mul3A_94, %sub3A : vector<64x16xf32>
    %mul3A_96 = arith.constant 4.000000e+00 : f32
    %mul3A_97 = vector.broadcast %mul3A_96 : f32 to vector<1664x16xf32>
    %mul3A_98 = arith.mulf %mul3A_84, %mul3A_97 : vector<1664x16xf32>
    %get3A_99 = arith.constant 0 : index
    %get3A_100 = arith.constant 0 : index
    %get3A_101 = vector.load %arg5[%get3A_99, %get3A_100] : memref<1664x16xf32, #tpu.memory_space<vmem>>, vector<1664x16xf32>
    %add3A_102 = arith.addf %mul3A_98, %get3A_101 : vector<1664x16xf32>
    %get3A_103 = arith.constant 0 : index
    %get3A_104 = arith.constant 0 : index
    %get3A_105 = vector.load %arg6[%get3A_103, %get3A_104] : memref<416x416xf32, #tpu.memory_space<vmem>>, vector<416x416xf32>
    %get3A_106 = arith.constant 0 : index
    %get3A_107 = arith.constant 0 : index
    %get3A_108 = arith.constant 0 : index
    %get3A_109 = vector.load %arg12[%get3A_106, %get3A_107, %get3A_108] : memref<5x1x16xf32, #tpu.memory_space<vmem>>, vector<1x1x16xf32>
    %get3A_110 = vector.shape_cast %get3A_109 : vector<1x1x16xf32> to vector<1x16xf32>
    %get3A_111 = arith.constant 0 : index
    %get3A_112 = arith.constant 0 : index
    %get3A_113 = arith.constant 0 : index
    %get3A_114 = vector.load %arg13[%get3A_111, %get3A_112, %get3A_113] : memref<5x1x16xf32, #tpu.memory_space<vmem>>, vector<1x1x16xf32>
    %get3A_115 = vector.shape_cast %get3A_114 : vector<1x1x16xf32> to vector<1x16xf32>
    %reduce_sum3A = arith.constant dense<0.000000e+00> : vector<1664xf32>
    %reduce_sum3A_116 = vector.multi_reduction <add>, %add3A_102, %reduce_sum3A [1] : vector<1664x16xf32> to vector<1664xf32>
    %broadcast_in_dim3A_117 = vector.shape_cast %reduce_sum3A_116 : vector<1664xf32> to vector<1664x1xf32>
    %div3A = arith.constant 1.600000e+01 : f32
    %div3A_118 = vector.broadcast %div3A : f32 to vector<1664x1xf32>
    %div3A_119 = arith.divf %broadcast_in_dim3A_117, %div3A_118 : vector<1664x1xf32>
    %sub3A_120 = vector.broadcast %div3A_119 : vector<1664x1xf32> to vector<1664x16xf32>
    %sub3A_121 = arith.subf %add3A_102, %sub3A_120 : vector<1664x16xf32>
    %mul3A_122 = arith.mulf %sub3A_121, %sub3A_121 : vector<1664x16xf32>
    %reduce_sum3A_123 = arith.constant dense<0.000000e+00> : vector<1664xf32>
    %reduce_sum3A_124 = vector.multi_reduction <add>, %mul3A_122, %reduce_sum3A_123 [1] : vector<1664x16xf32> to vector<1664xf32>
    %broadcast_in_dim3A_125 = vector.shape_cast %reduce_sum3A_124 : vector<1664xf32> to vector<1664x1xf32>
    %mul3A_126 = arith.constant 0.0666666701 : f32
    %mul3A_127 = vector.broadcast %mul3A_126 : f32 to vector<1664x1xf32>
    %mul3A_128 = arith.mulf %broadcast_in_dim3A_125, %mul3A_127 : vector<1664x1xf32>
    %mul3A_129 = vector.broadcast %get3A_110 : vector<1x16xf32> to vector<1664x16xf32>
    %mul3A_130 = arith.mulf %mul3A_129, %sub3A_121 : vector<1664x16xf32>
    %sqrt3A = math.sqrt %mul3A_128 : vector<1664x1xf32>
    %add3A_131 = arith.constant 9.99999997E-7 : f32
    %add3A_132 = vector.broadcast %add3A_131 : f32 to vector<1664x1xf32>
    %add3A_133 = arith.addf %sqrt3A, %add3A_132 : vector<1664x1xf32>
    %div3A_134 = vector.broadcast %add3A_133 : vector<1664x1xf32> to vector<1664x16xf32>
    %div3A_135 = arith.divf %mul3A_130, %div3A_134 : vector<1664x16xf32>
    %add3A_136 = vector.broadcast %get3A_115 : vector<1x16xf32> to vector<1664x16xf32>
    %add3A_137 = arith.addf %div3A_135, %add3A_136 : vector<1664x16xf32>
    %get3A_138 = arith.constant 0 : index
    %get3A_139 = arith.constant 0 : index
    %get3A_140 = arith.constant 0 : index
    %get3A_141 = vector.load %arg8[%get3A_138, %get3A_139, %get3A_140] : memref<5x16x48xf32, #tpu.memory_space<vmem>>, vector<1x16x48xf32>
    %get3A_142 = vector.shape_cast %get3A_141 : vector<1x16x48xf32> to vector<16x48xf32>
    %dot_general3A_143 = arith.constant dense<0.000000e+00> : vector<1664x48xf32>
    %dot_general3A_144 = tpu.matmul %add3A_137, %get3A_142, %dot_general3A_143 {dimension_numbers = #tpu.dot_dimension_numbers<[1], [0], [0], [1], [0, 0, 1, 1], [], []>, transpose_lhs_hint = false} : vector<1664x16xf32>, vector<16x48xf32>, vector<1664x48xf32> -> vector<1664x48xf32>
    %get3A_145 = arith.constant 0 : index
    %get3A_146 = arith.constant 0 : index
    %get3A_147 = arith.constant 0 : index
    %get3A_148 = vector.load %arg9[%get3A_145, %get3A_146, %get3A_147] : memref<5x1x48xf32, #tpu.memory_space<vmem>>, vector<1x1x48xf32>
    %get3A_149 = vector.shape_cast %get3A_148 : vector<1x1x48xf32> to vector<1x48xf32>
    %add3A_150 = vector.broadcast %get3A_149 : vector<1x48xf32> to vector<1664x48xf32>
    %add3A_151 = arith.addf %dot_general3A_144, %add3A_150 : vector<1664x48xf32>
    %slice3A_152 = vector.extract_strided_slice %add3A_151 {offsets = [0, 0], sizes = [1664, 16], strides = [1, 1]} : vector<1664x48xf32> to vector<1664x16xf32>
    %slice3A_153 = vector.extract_strided_slice %add3A_151 {offsets = [0, 16], sizes = [1664, 16], strides = [1, 1]} : vector<1664x48xf32> to vector<1664x16xf32>
    %slice3A_154 = vector.extract_strided_slice %add3A_151 {offsets = [0, 32], sizes = [1664, 16], strides = [1, 1]} : vector<1664x48xf32> to vector<1664x16xf32>
    %slice3A_155 = vector.extract_strided_slice %slice3A_152 {offsets = [0, 0], sizes = [416, 16], strides = [1, 1]} : vector<1664x16xf32> to vector<416x16xf32>
    %slice3A_156 = vector.extract_strided_slice %slice3A_153 {offsets = [0, 0], sizes = [416, 16], strides = [1, 1]} : vector<1664x16xf32> to vector<416x16xf32>
    %slice3A_157 = vector.extract_strided_slice %slice3A_154 {offsets = [0, 0], sizes = [416, 16], strides = [1, 1]} : vector<1664x16xf32> to vector<416x16xf32>
    %dot_general3A_158 = arith.constant dense<0.000000e+00> : vector<416x416xf32>
    %dot_general3A_159 = tpu.matmul %slice3A_155, %slice3A_156, %dot_general3A_158 {dimension_numbers = #tpu.dot_dimension_numbers<[1], [1], [0], [0], [0, 0, 1, 0], [], []>, transpose_lhs_hint = false} : vector<416x16xf32>, vector<416x16xf32>, vector<416x416xf32> -> vector<416x416xf32>
    %mul3A_160 = arith.mulf %dot_general3A_159, %get3A_105 : vector<416x416xf32>
    %dot_general3A_161 = arith.constant dense<0.000000e+00> : vector<416x16xf32>
    %dot_general3A_162 = tpu.matmul %mul3A_160, %slice3A_157, %dot_general3A_161 {dimension_numbers = #tpu.dot_dimension_numbers<[1], [0], [0], [1], [0, 0, 1, 1], [], []>, transpose_lhs_hint = false} : vector<416x416xf32>, vector<416x16xf32>, vector<416x16xf32> -> vector<416x16xf32>
    %slice3A_163 = vector.extract_strided_slice %slice3A_152 {offsets = [416, 0], sizes = [416, 16], strides = [1, 1]} : vector<1664x16xf32> to vector<416x16xf32>
    %slice3A_164 = vector.extract_strided_slice %slice3A_153 {offsets = [416, 0], sizes = [416, 16], strides = [1, 1]} : vector<1664x16xf32> to vector<416x16xf32>
    %slice3A_165 = vector.extract_strided_slice %slice3A_154 {offsets = [416, 0], sizes = [416, 16], strides = [1, 1]} : vector<1664x16xf32> to vector<416x16xf32>
    %dot_general3A_166 = arith.constant dense<0.000000e+00> : vector<416x416xf32>
    %dot_general3A_167 = tpu.matmul %slice3A_163, %slice3A_164, %dot_general3A_166 {dimension_numbers = #tpu.dot_dimension_numbers<[1], [1], [0], [0], [0, 0, 1, 0], [], []>, transpose_lhs_hint = false} : vector<416x16xf32>, vector<416x16xf32>, vector<416x416xf32> -> vector<416x416xf32>
    %mul3A_168 = arith.mulf %dot_general3A_167, %get3A_105 : vector<416x416xf32>
    %dot_general3A_169 = arith.constant dense<0.000000e+00> : vector<416x16xf32>
    %dot_general3A_170 = tpu.matmul %mul3A_168, %slice3A_165, %dot_general3A_169 {dimension_numbers = #tpu.dot_dimension_numbers<[1], [0], [0], [1], [0, 0, 1, 1], [], []>, transpose_lhs_hint = false} : vector<416x416xf32>, vector<416x16xf32>, vector<416x16xf32> -> vector<416x16xf32>
    %slice3A_171 = vector.extract_strided_slice %slice3A_152 {offsets = [832, 0], sizes = [416, 16], strides = [1, 1]} : vector<1664x16xf32> to vector<416x16xf32>
    %slice3A_172 = vector.extract_strided_slice %slice3A_153 {offsets = [832, 0], sizes = [416, 16], strides = [1, 1]} : vector<1664x16xf32> to vector<416x16xf32>
    %slice3A_173 = vector.extract_strided_slice %slice3A_154 {offsets = [832, 0], sizes = [416, 16], strides = [1, 1]} : vector<1664x16xf32> to vector<416x16xf32>
    %dot_general3A_174 = arith.constant dense<0.000000e+00> : vector<416x416xf32>
    %dot_general3A_175 = tpu.matmul %slice3A_171, %slice3A_172, %dot_general3A_174 {dimension_numbers = #tpu.dot_dimension_numbers<[1], [1], [0], [0], [0, 0, 1, 0], [], []>, transpose_lhs_hint = false} : vector<416x16xf32>, vector<416x16xf32>, vector<416x416xf32> -> vector<416x416xf32>
    %mul3A_176 = arith.mulf %dot_general3A_175, %get3A_105 : vector<416x416xf32>
    %dot_general3A_177 = arith.constant dense<0.000000e+00> : vector<416x16xf32>
    %dot_general3A_178 = tpu.matmul %mul3A_176, %slice3A_173, %dot_general3A_177 {dimension_numbers = #tpu.dot_dimension_numbers<[1], [0], [0], [1], [0, 0, 1, 1], [], []>, transpose_lhs_hint = false} : vector<416x416xf32>, vector<416x16xf32>, vector<416x16xf32> -> vector<416x16xf32>
    %slice3A_179 = vector.extract_strided_slice %slice3A_152 {offsets = [1248, 0], sizes = [416, 16], strides = [1, 1]} : vector<1664x16xf32> to vector<416x16xf32>
    %slice3A_180 = vector.extract_strided_slice %slice3A_153 {offsets = [1248, 0], sizes = [416, 16], strides = [1, 1]} : vector<1664x16xf32> to vector<416x16xf32>
    %slice3A_181 = vector.extract_strided_slice %slice3A_154 {offsets = [1248, 0], sizes = [416, 16], strides = [1, 1]} : vector<1664x16xf32> to vector<416x16xf32>
    %dot_general3A_182 = arith.constant dense<0.000000e+00> : vector<416x416xf32>
    %dot_general3A_183 = tpu.matmul %slice3A_179, %slice3A_180, %dot_general3A_182 {dimension_numbers = #tpu.dot_dimension_numbers<[1], [1], [0], [0], [0, 0, 1, 0], [], []>, transpose_lhs_hint = false} : vector<416x16xf32>, vector<416x16xf32>, vector<416x416xf32> -> vector<416x416xf32>
    %mul3A_184 = arith.mulf %dot_general3A_183, %get3A_105 : vector<416x416xf32>
    %dot_general3A_185 = arith.constant dense<0.000000e+00> : vector<416x16xf32>
    %dot_general3A_186 = tpu.matmul %mul3A_184, %slice3A_181, %dot_general3A_185 {dimension_numbers = #tpu.dot_dimension_numbers<[1], [0], [0], [1], [0, 0, 1, 1], [], []>, transpose_lhs_hint = false} : vector<416x416xf32>, vector<416x16xf32>, vector<416x16xf32> -> vector<416x16xf32>
    %concatenate3A = tpu.concatenate %dot_general3A_162, %dot_general3A_170, %dot_general3A_178, %dot_general3A_186 in 0 : vector<416x16xf32>, vector<416x16xf32>, vector<416x16xf32>, vector<416x16xf32> -> vector<1664x16xf32>
    %get3A_187 = arith.constant 0 : index
    %get3A_188 = arith.constant 0 : index
    %get3A_189 = arith.constant 0 : index
    %get3A_190 = vector.load %arg10[%get3A_187, %get3A_188, %get3A_189] : memref<5x16x16xf32, #tpu.memory_space<vmem>>, vector<1x16x16xf32>
    %get3A_191 = vector.shape_cast %get3A_190 : vector<1x16x16xf32> to vector<16x16xf32>
    %dot_general3A_192 = arith.constant dense<0.000000e+00> : vector<1664x16xf32>
    %dot_general3A_193 = tpu.matmul %concatenate3A, %get3A_191, %dot_general3A_192 {dimension_numbers = #tpu.dot_dimension_numbers<[1], [0], [0], [1], [0, 0, 1, 1], [], []>, transpose_lhs_hint = false} : vector<1664x16xf32>, vector<16x16xf32>, vector<1664x16xf32> -> vector<1664x16xf32>
    %get3A_194 = arith.constant 0 : index
    %get3A_195 = arith.constant 0 : index
    %get3A_196 = arith.constant 0 : index
    %get3A_197 = vector.load %arg11[%get3A_194, %get3A_195, %get3A_196] : memref<5x1x16xf32, #tpu.memory_space<vmem>>, vector<1x1x16xf32>
    %get3A_198 = vector.shape_cast %get3A_197 : vector<1x1x16xf32> to vector<1x16xf32>
    %add3A_199 = vector.broadcast %get3A_198 : vector<1x16xf32> to vector<1664x16xf32>
    %add3A_200 = arith.addf %dot_general3A_193, %add3A_199 : vector<1664x16xf32>
    %add3A_201 = arith.addf %add3A_102, %add3A_200 : vector<1664x16xf32>
    %get3A_202 = arith.constant 0 : index
    %get3A_203 = arith.constant 0 : index
    %get3A_204 = arith.constant 0 : index
    %get3A_205 = vector.load %arg14[%get3A_202, %get3A_203, %get3A_204] : memref<5x1x16xf32, #tpu.memory_space<vmem>>, vector<1x1x16xf32>
    %get3A_206 = vector.shape_cast %get3A_205 : vector<1x1x16xf32> to vector<1x16xf32>
    %get3A_207 = arith.constant 0 : index
    %get3A_208 = arith.constant 0 : index
    %get3A_209 = arith.constant 0 : index
    %get3A_210 = vector.load %arg15[%get3A_207, %get3A_208, %get3A_209] : memref<5x1x16xf32, #tpu.memory_space<vmem>>, vector<1x1x16xf32>
    %get3A_211 = vector.shape_cast %get3A_210 : vector<1x1x16xf32> to vector<1x16xf32>
    %reduce_sum3A_212 = arith.constant dense<0.000000e+00> : vector<1664xf32>
    %reduce_sum3A_213 = vector.multi_reduction <add>, %add3A_201, %reduce_sum3A_212 [1] : vector<1664x16xf32> to vector<1664xf32>
    %broadcast_in_dim3A_214 = vector.shape_cast %reduce_sum3A_213 : vector<1664xf32> to vector<1664x1xf32>
    %div3A_215 = arith.constant 1.600000e+01 : f32
    %div3A_216 = vector.broadcast %div3A_215 : f32 to vector<1664x1xf32>
    %div3A_217 = arith.divf %broadcast_in_dim3A_214, %div3A_216 : vector<1664x1xf32>
    %sub3A_218 = vector.broadcast %div3A_217 : vector<1664x1xf32> to vector<1664x16xf32>
    %sub3A_219 = arith.subf %add3A_201, %sub3A_218 : vector<1664x16xf32>
    %mul3A_220 = arith.mulf %sub3A_219, %sub3A_219 : vector<1664x16xf32>
    %reduce_sum3A_221 = arith.constant dense<0.000000e+00> : vector<1664xf32>
    %reduce_sum3A_222 = vector.multi_reduction <add>, %mul3A_220, %reduce_sum3A_221 [1] : vector<1664x16xf32> to vector<1664xf32>
    %broadcast_in_dim3A_223 = vector.shape_cast %reduce_sum3A_222 : vector<1664xf32> to vector<1664x1xf32>
    %mul3A_224 = arith.constant 0.0666666701 : f32
    %mul3A_225 = vector.broadcast %mul3A_224 : f32 to vector<1664x1xf32>
    %mul3A_226 = arith.mulf %broadcast_in_dim3A_223, %mul3A_225 : vector<1664x1xf32>
    %mul3A_227 = vector.broadcast %get3A_206 : vector<1x16xf32> to vector<1664x16xf32>
    %mul3A_228 = arith.mulf %mul3A_227, %sub3A_219 : vector<1664x16xf32>
    %sqrt3A_229 = math.sqrt %mul3A_226 : vector<1664x1xf32>
    %add3A_230 = arith.constant 9.99999997E-7 : f32
    %add3A_231 = vector.broadcast %add3A_230 : f32 to vector<1664x1xf32>
    %add3A_232 = arith.addf %sqrt3A_229, %add3A_231 : vector<1664x1xf32>
    %div3A_233 = vector.broadcast %add3A_232 : vector<1664x1xf32> to vector<1664x16xf32>
    %div3A_234 = arith.divf %mul3A_228, %div3A_233 : vector<1664x16xf32>
    %add3A_235 = vector.broadcast %get3A_211 : vector<1x16xf32> to vector<1664x16xf32>
    %add3A_236 = arith.addf %div3A_234, %add3A_235 : vector<1664x16xf32>
    %get3A_237 = arith.constant 0 : index
    %get3A_238 = arith.constant 0 : index
    %get3A_239 = arith.constant 0 : index
    %get3A_240 = vector.load %arg16[%get3A_237, %get3A_238, %get3A_239] : memref<5x16x128xf32, #tpu.memory_space<vmem>>, vector<1x16x128xf32>
    %get3A_241 = vector.shape_cast %get3A_240 : vector<1x16x128xf32> to vector<16x128xf32>
    %dot_general3A_242 = arith.constant dense<0.000000e+00> : vector<1664x128xf32>
    %dot_general3A_243 = tpu.matmul %add3A_236, %get3A_241, %dot_general3A_242 {dimension_numbers = #tpu.dot_dimension_numbers<[1], [0], [0], [1], [0, 0, 1, 1], [], []>, transpose_lhs_hint = false} : vector<1664x16xf32>, vector<16x128xf32>, vector<1664x128xf32> -> vector<1664x128xf32>
    %get3A_244 = arith.constant 0 : index
    %get3A_245 = arith.constant 0 : index
    %get3A_246 = arith.constant 0 : index
    %get3A_247 = vector.load %arg17[%get3A_244, %get3A_245, %get3A_246] : memref<5x1x128xf32, #tpu.memory_space<vmem>>, vector<1x1x128xf32>
    %get3A_248 = vector.shape_cast %get3A_247 : vector<1x1x128xf32> to vector<1x128xf32>
    %add3A_249 = vector.broadcast %get3A_248 : vector<1x128xf32> to vector<1664x128xf32>
    %add3A_250 = arith.addf %dot_general3A_243, %add3A_249 : vector<1664x128xf32>
    %mul3A_251 = arith.constant 0.999994993 : f32
    %mul3A_252 = vector.broadcast %mul3A_251 : f32 to vector<1664x128xf32>
    %mul3A_253 = arith.mulf %add3A_250, %mul3A_252 : vector<1664x128xf32>
    %max3A = arith.constant 0.000000e+00 : f32
    %max3A_254 = vector.broadcast %max3A : f32 to vector<1664x128xf32>
    %max3A_255 = arith.maximumf %mul3A_253, %max3A_254 : vector<1664x128xf32>
    %get3A_256 = arith.constant 0 : index
    %get3A_257 = arith.constant 0 : index
    %get3A_258 = arith.constant 0 : index
    %get3A_259 = vector.load %arg18[%get3A_256, %get3A_257, %get3A_258] : memref<5x128x16xf32, #tpu.memory_space<vmem>>, vector<1x128x16xf32>
    %get3A_260 = vector.shape_cast %get3A_259 : vector<1x128x16xf32> to vector<128x16xf32>
    %dot_general3A_261 = arith.constant dense<0.000000e+00> : vector<1664x16xf32>
    %dot_general3A_262 = tpu.matmul %max3A_255, %get3A_260, %dot_general3A_261 {dimension_numbers = #tpu.dot_dimension_numbers<[1], [0], [0], [1], [0, 0, 1, 1], [], []>, transpose_lhs_hint = false} : vector<1664x128xf32>, vector<128x16xf32>, vector<1664x16xf32> -> vector<1664x16xf32>
    %get3A_263 = arith.constant 0 : index
    %get3A_264 = arith.constant 0 : index
    %get3A_265 = arith.constant 0 : index
    %get3A_266 = vector.load %arg19[%get3A_263, %get3A_264, %get3A_265] : memref<5x1x16xf32, #tpu.memory_space<vmem>>, vector<1x1x16xf32>
    %get3A_267 = vector.shape_cast %get3A_266 : vector<1x1x16xf32> to vector<1x16xf32>
    %add3A_268 = vector.broadcast %get3A_267 : vector<1x16xf32> to vector<1664x16xf32>
    %add3A_269 = arith.addf %dot_general3A_262, %add3A_268 : vector<1664x16xf32>
    %add3A_270 = arith.addf %add3A_201, %add3A_269 : vector<1664x16xf32>
    %get3A_271 = arith.constant 1 : index
    %get3A_272 = arith.constant 0 : index
    %get3A_273 = arith.constant 0 : index
    %get3A_274 = vector.load %arg12[%get3A_271, %get3A_272, %get3A_273] : memref<5x1x16xf32, #tpu.memory_space<vmem>>, vector<1x1x16xf32>
    %get3A_275 = vector.shape_cast %get3A_274 : vector<1x1x16xf32> to vector<1x16xf32>
    %get3A_276 = arith.constant 1 : index
    %get3A_277 = arith.constant 0 : index
    %get3A_278 = arith.constant 0 : index
    %get3A_279 = vector.load %arg13[%get3A_276, %get3A_277, %get3A_278] : memref<5x1x16xf32, #tpu.memory_space<vmem>>, vector<1x1x16xf32>
    %get3A_280 = vector.shape_cast %get3A_279 : vector<1x1x16xf32> to vector<1x16xf32>
    %reduce_sum3A_281 = arith.constant dense<0.000000e+00> : vector<1664xf32>
    %reduce_sum3A_282 = vector.multi_reduction <add>, %add3A_270, %reduce_sum3A_281 [1] : vector<1664x16xf32> to vector<1664xf32>
    %broadcast_in_dim3A_283 = vector.shape_cast %reduce_sum3A_282 : vector<1664xf32> to vector<1664x1xf32>
    %div3A_284 = arith.constant 1.600000e+01 : f32
    %div3A_285 = vector.broadcast %div3A_284 : f32 to vector<1664x1xf32>
    %div3A_286 = arith.divf %broadcast_in_dim3A_283, %div3A_285 : vector<1664x1xf32>
    %sub3A_287 = vector.broadcast %div3A_286 : vector<1664x1xf32> to vector<1664x16xf32>
    %sub3A_288 = arith.subf %add3A_270, %sub3A_287 : vector<1664x16xf32>
    %mul3A_289 = arith.mulf %sub3A_288, %sub3A_288 : vector<1664x16xf32>
    %reduce_sum3A_290 = arith.constant dense<0.000000e+00> : vector<1664xf32>
    %reduce_sum3A_291 = vector.multi_reduction <add>, %mul3A_289, %reduce_sum3A_290 [1] : vector<1664x16xf32> to vector<1664xf32>
    %broadcast_in_dim3A_292 = vector.shape_cast %reduce_sum3A_291 : vector<1664xf32> to vector<1664x1xf32>
    %mul3A_293 = arith.constant 0.0666666701 : f32
    %mul3A_294 = vector.broadcast %mul3A_293 : f32 to vector<1664x1xf32>
    %mul3A_295 = arith.mulf %broadcast_in_dim3A_292, %mul3A_294 : vector<1664x1xf32>
    %mul3A_296 = vector.broadcast %get3A_275 : vector<1x16xf32> to vector<1664x16xf32>
    %mul3A_297 = arith.mulf %mul3A_296, %sub3A_288 : vector<1664x16xf32>
    %sqrt3A_298 = math.sqrt %mul3A_295 : vector<1664x1xf32>
    %add3A_299 = arith.constant 9.99999997E-7 : f32
    %add3A_300 = vector.broadcast %add3A_299 : f32 to vector<1664x1xf32>
    %add3A_301 = arith.addf %sqrt3A_298, %add3A_300 : vector<1664x1xf32>
    %div3A_302 = vector.broadcast %add3A_301 : vector<1664x1xf32> to vector<1664x16xf32>
    %div3A_303 = arith.divf %mul3A_297, %div3A_302 : vector<1664x16xf32>
    %add3A_304 = vector.broadcast %get3A_280 : vector<1x16xf32> to vector<1664x16xf32>
    %add3A_305 = arith.addf %div3A_303, %add3A_304 : vector<1664x16xf32>
    %get3A_306 = arith.constant 1 : index
    %get3A_307 = arith.constant 0 : index
    %get3A_308 = arith.constant 0 : index
    %get3A_309 = vector.load %arg8[%get3A_306, %get3A_307, %get3A_308] : memref<5x16x48xf32, #tpu.memory_space<vmem>>, vector<1x16x48xf32>
    %get3A_310 = vector.shape_cast %get3A_309 : vector<1x16x48xf32> to vector<16x48xf32>
    %dot_general3A_311 = arith.constant dense<0.000000e+00> : vector<1664x48xf32>
    %dot_general3A_312 = tpu.matmul %add3A_305, %get3A_310, %dot_general3A_311 {dimension_numbers = #tpu.dot_dimension_numbers<[1], [0], [0], [1], [0, 0, 1, 1], [], []>, transpose_lhs_hint = false} : vector<1664x16xf32>, vector<16x48xf32>, vector<1664x48xf32> -> vector<1664x48xf32>
    %get3A_313 = arith.constant 1 : index
    %get3A_314 = arith.constant 0 : index
    %get3A_315 = arith.constant 0 : index
    %get3A_316 = vector.load %arg9[%get3A_313, %get3A_314, %get3A_315] : memref<5x1x48xf32, #tpu.memory_space<vmem>>, vector<1x1x48xf32>
    %get3A_317 = vector.shape_cast %get3A_316 : vector<1x1x48xf32> to vector<1x48xf32>
    %add3A_318 = vector.broadcast %get3A_317 : vector<1x48xf32> to vector<1664x48xf32>
    %add3A_319 = arith.addf %dot_general3A_312, %add3A_318 : vector<1664x48xf32>
    %slice3A_320 = vector.extract_strided_slice %add3A_319 {offsets = [0, 0], sizes = [1664, 16], strides = [1, 1]} : vector<1664x48xf32> to vector<1664x16xf32>
    %slice3A_321 = vector.extract_strided_slice %add3A_319 {offsets = [0, 16], sizes = [1664, 16], strides = [1, 1]} : vector<1664x48xf32> to vector<1664x16xf32>
    %slice3A_322 = vector.extract_strided_slice %add3A_319 {offsets = [0, 32], sizes = [1664, 16], strides = [1, 1]} : vector<1664x48xf32> to vector<1664x16xf32>
    %slice3A_323 = vector.extract_strided_slice %slice3A_320 {offsets = [0, 0], sizes = [416, 16], strides = [1, 1]} : vector<1664x16xf32> to vector<416x16xf32>
    %slice3A_324 = vector.extract_strided_slice %slice3A_321 {offsets = [0, 0], sizes = [416, 16], strides = [1, 1]} : vector<1664x16xf32> to vector<416x16xf32>
    %slice3A_325 = vector.extract_strided_slice %slice3A_322 {offsets = [0, 0], sizes = [416, 16], strides = [1, 1]} : vector<1664x16xf32> to vector<416x16xf32>
    %dot_general3A_326 = arith.constant dense<0.000000e+00> : vector<416x416xf32>
    %dot_general3A_327 = tpu.matmul %slice3A_323, %slice3A_324, %dot_general3A_326 {dimension_numbers = #tpu.dot_dimension_numbers<[1], [1], [0], [0], [0, 0, 1, 0], [], []>, transpose_lhs_hint = false} : vector<416x16xf32>, vector<416x16xf32>, vector<416x416xf32> -> vector<416x416xf32>
    %mul3A_328 = arith.mulf %dot_general3A_327, %get3A_105 : vector<416x416xf32>
    %dot_general3A_329 = arith.constant dense<0.000000e+00> : vector<416x16xf32>
    %dot_general3A_330 = tpu.matmul %mul3A_328, %slice3A_325, %dot_general3A_329 {dimension_numbers = #tpu.dot_dimension_numbers<[1], [0], [0], [1], [0, 0, 1, 1], [], []>, transpose_lhs_hint = false} : vector<416x416xf32>, vector<416x16xf32>, vector<416x16xf32> -> vector<416x16xf32>
    %slice3A_331 = vector.extract_strided_slice %slice3A_320 {offsets = [416, 0], sizes = [416, 16], strides = [1, 1]} : vector<1664x16xf32> to vector<416x16xf32>
    %slice3A_332 = vector.extract_strided_slice %slice3A_321 {offsets = [416, 0], sizes = [416, 16], strides = [1, 1]} : vector<1664x16xf32> to vector<416x16xf32>
    %slice3A_333 = vector.extract_strided_slice %slice3A_322 {offsets = [416, 0], sizes = [416, 16], strides = [1, 1]} : vector<1664x16xf32> to vector<416x16xf32>
    %dot_general3A_334 = arith.constant dense<0.000000e+00> : vector<416x416xf32>
    %dot_general3A_335 = tpu.matmul %slice3A_331, %slice3A_332, %dot_general3A_334 {dimension_numbers = #tpu.dot_dimension_numbers<[1], [1], [0], [0], [0, 0, 1, 0], [], []>, transpose_lhs_hint = false} : vector<416x16xf32>, vector<416x16xf32>, vector<416x416xf32> -> vector<416x416xf32>
    %mul3A_336 = arith.mulf %dot_general3A_335, %get3A_105 : vector<416x416xf32>
    %dot_general3A_337 = arith.constant dense<0.000000e+00> : vector<416x16xf32>
    %dot_general3A_338 = tpu.matmul %mul3A_336, %slice3A_333, %dot_general3A_337 {dimension_numbers = #tpu.dot_dimension_numbers<[1], [0], [0], [1], [0, 0, 1, 1], [], []>, transpose_lhs_hint = false} : vector<416x416xf32>, vector<416x16xf32>, vector<416x16xf32> -> vector<416x16xf32>
    %slice3A_339 = vector.extract_strided_slice %slice3A_320 {offsets = [832, 0], sizes = [416, 16], strides = [1, 1]} : vector<1664x16xf32> to vector<416x16xf32>
    %slice3A_340 = vector.extract_strided_slice %slice3A_321 {offsets = [832, 0], sizes = [416, 16], strides = [1, 1]} : vector<1664x16xf32> to vector<416x16xf32>
    %slice3A_341 = vector.extract_strided_slice %slice3A_322 {offsets = [832, 0], sizes = [416, 16], strides = [1, 1]} : vector<1664x16xf32> to vector<416x16xf32>
    %dot_general3A_342 = arith.constant dense<0.000000e+00> : vector<416x416xf32>
    %dot_general3A_343 = tpu.matmul %slice3A_339, %slice3A_340, %dot_general3A_342 {dimension_numbers = #tpu.dot_dimension_numbers<[1], [1], [0], [0], [0, 0, 1, 0], [], []>, transpose_lhs_hint = false} : vector<416x16xf32>, vector<416x16xf32>, vector<416x416xf32> -> vector<416x416xf32>
    %mul3A_344 = arith.mulf %dot_general3A_343, %get3A_105 : vector<416x416xf32>
    %dot_general3A_345 = arith.constant dense<0.000000e+00> : vector<416x16xf32>
    %dot_general3A_346 = tpu.matmul %mul3A_344, %slice3A_341, %dot_general3A_345 {dimension_numbers = #tpu.dot_dimension_numbers<[1], [0], [0], [1], [0, 0, 1, 1], [], []>, transpose_lhs_hint = false} : vector<416x416xf32>, vector<416x16xf32>, vector<416x16xf32> -> vector<416x16xf32>
    %slice3A_347 = vector.extract_strided_slice %slice3A_320 {offsets = [1248, 0], sizes = [416, 16], strides = [1, 1]} : vector<1664x16xf32> to vector<416x16xf32>
    %slice3A_348 = vector.extract_strided_slice %slice3A_321 {offsets = [1248, 0], sizes = [416, 16], strides = [1, 1]} : vector<1664x16xf32> to vector<416x16xf32>
    %slice3A_349 = vector.extract_strided_slice %slice3A_322 {offsets = [1248, 0], sizes = [416, 16], strides = [1, 1]} : vector<1664x16xf32> to vector<416x16xf32>
    %dot_general3A_350 = arith.constant dense<0.000000e+00> : vector<416x416xf32>
    %dot_general3A_351 = tpu.matmul %slice3A_347, %slice3A_348, %dot_general3A_350 {dimension_numbers = #tpu.dot_dimension_numbers<[1], [1], [0], [0], [0, 0, 1, 0], [], []>, transpose_lhs_hint = false} : vector<416x16xf32>, vector<416x16xf32>, vector<416x416xf32> -> vector<416x416xf32>
    %mul3A_352 = arith.mulf %dot_general3A_351, %get3A_105 : vector<416x416xf32>
    %dot_general3A_353 = arith.constant dense<0.000000e+00> : vector<416x16xf32>
    %dot_general3A_354 = tpu.matmul %mul3A_352, %slice3A_349, %dot_general3A_353 {dimension_numbers = #tpu.dot_dimension_numbers<[1], [0], [0], [1], [0, 0, 1, 1], [], []>, transpose_lhs_hint = false} : vector<416x416xf32>, vector<416x16xf32>, vector<416x16xf32> -> vector<416x16xf32>
    %concatenate3A_355 = tpu.concatenate %dot_general3A_330, %dot_general3A_338, %dot_general3A_346, %dot_general3A_354 in 0 : vector<416x16xf32>, vector<416x16xf32>, vector<416x16xf32>, vector<416x16xf32> -> vector<1664x16xf32>
    %get3A_356 = arith.constant 1 : index
    %get3A_357 = arith.constant 0 : index
    %get3A_358 = arith.constant 0 : index
    %get3A_359 = vector.load %arg10[%get3A_356, %get3A_357, %get3A_358] : memref<5x16x16xf32, #tpu.memory_space<vmem>>, vector<1x16x16xf32>
    %get3A_360 = vector.shape_cast %get3A_359 : vector<1x16x16xf32> to vector<16x16xf32>
    %dot_general3A_361 = arith.constant dense<0.000000e+00> : vector<1664x16xf32>
    %dot_general3A_362 = tpu.matmul %concatenate3A_355, %get3A_360, %dot_general3A_361 {dimension_numbers = #tpu.dot_dimension_numbers<[1], [0], [0], [1], [0, 0, 1, 1], [], []>, transpose_lhs_hint = false} : vector<1664x16xf32>, vector<16x16xf32>, vector<1664x16xf32> -> vector<1664x16xf32>
    %get3A_363 = arith.constant 1 : index
    %get3A_364 = arith.constant 0 : index
    %get3A_365 = arith.constant 0 : index
    %get3A_366 = vector.load %arg11[%get3A_363, %get3A_364, %get3A_365] : memref<5x1x16xf32, #tpu.memory_space<vmem>>, vector<1x1x16xf32>
    %get3A_367 = vector.shape_cast %get3A_366 : vector<1x1x16xf32> to vector<1x16xf32>
    %add3A_368 = vector.broadcast %get3A_367 : vector<1x16xf32> to vector<1664x16xf32>
    %add3A_369 = arith.addf %dot_general3A_362, %add3A_368 : vector<1664x16xf32>
    %add3A_370 = arith.addf %add3A_270, %add3A_369 : vector<1664x16xf32>
    %get3A_371 = arith.constant 1 : index
    %get3A_372 = arith.constant 0 : index
    %get3A_373 = arith.constant 0 : index
    %get3A_374 = vector.load %arg14[%get3A_371, %get3A_372, %get3A_373] : memref<5x1x16xf32, #tpu.memory_space<vmem>>, vector<1x1x16xf32>
    %get3A_375 = vector.shape_cast %get3A_374 : vector<1x1x16xf32> to vector<1x16xf32>
    %get3A_376 = arith.constant 1 : index
    %get3A_377 = arith.constant 0 : index
    %get3A_378 = arith.constant 0 : index
    %get3A_379 = vector.load %arg15[%get3A_376, %get3A_377, %get3A_378] : memref<5x1x16xf32, #tpu.memory_space<vmem>>, vector<1x1x16xf32>
    %get3A_380 = vector.shape_cast %get3A_379 : vector<1x1x16xf32> to vector<1x16xf32>
    %reduce_sum3A_381 = arith.constant dense<0.000000e+00> : vector<1664xf32>
    %reduce_sum3A_382 = vector.multi_reduction <add>, %add3A_370, %reduce_sum3A_381 [1] : vector<1664x16xf32> to vector<1664xf32>
    %broadcast_in_dim3A_383 = vector.shape_cast %reduce_sum3A_382 : vector<1664xf32> to vector<1664x1xf32>
    %div3A_384 = arith.constant 1.600000e+01 : f32
    %div3A_385 = vector.broadcast %div3A_384 : f32 to vector<1664x1xf32>
    %div3A_386 = arith.divf %broadcast_in_dim3A_383, %div3A_385 : vector<1664x1xf32>
    %sub3A_387 = vector.broadcast %div3A_386 : vector<1664x1xf32> to vector<1664x16xf32>
    %sub3A_388 = arith.subf %add3A_370, %sub3A_387 : vector<1664x16xf32>
    %mul3A_389 = arith.mulf %sub3A_388, %sub3A_388 : vector<1664x16xf32>
    %reduce_sum3A_390 = arith.constant dense<0.000000e+00> : vector<1664xf32>
    %reduce_sum3A_391 = vector.multi_reduction <add>, %mul3A_389, %reduce_sum3A_390 [1] : vector<1664x16xf32> to vector<1664xf32>
    %broadcast_in_dim3A_392 = vector.shape_cast %reduce_sum3A_391 : vector<1664xf32> to vector<1664x1xf32>
    %mul3A_393 = arith.constant 0.0666666701 : f32
    %mul3A_394 = vector.broadcast %mul3A_393 : f32 to vector<1664x1xf32>
    %mul3A_395 = arith.mulf %broadcast_in_dim3A_392, %mul3A_394 : vector<1664x1xf32>
    %mul3A_396 = vector.broadcast %get3A_375 : vector<1x16xf32> to vector<1664x16xf32>
    %mul3A_397 = arith.mulf %mul3A_396, %sub3A_388 : vector<1664x16xf32>
    %sqrt3A_398 = math.sqrt %mul3A_395 : vector<1664x1xf32>
    %add3A_399 = arith.constant 9.99999997E-7 : f32
    %add3A_400 = vector.broadcast %add3A_399 : f32 to vector<1664x1xf32>
    %add3A_401 = arith.addf %sqrt3A_398, %add3A_400 : vector<1664x1xf32>
    %div3A_402 = vector.broadcast %add3A_401 : vector<1664x1xf32> to vector<1664x16xf32>
    %div3A_403 = arith.divf %mul3A_397, %div3A_402 : vector<1664x16xf32>
    %add3A_404 = vector.broadcast %get3A_380 : vector<1x16xf32> to vector<1664x16xf32>
    %add3A_405 = arith.addf %div3A_403, %add3A_404 : vector<1664x16xf32>
    %get3A_406 = arith.constant 1 : index
    %get3A_407 = arith.constant 0 : index
    %get3A_408 = arith.constant 0 : index
    %get3A_409 = vector.load %arg16[%get3A_406, %get3A_407, %get3A_408] : memref<5x16x128xf32, #tpu.memory_space<vmem>>, vector<1x16x128xf32>
    %get3A_410 = vector.shape_cast %get3A_409 : vector<1x16x128xf32> to vector<16x128xf32>
    %dot_general3A_411 = arith.constant dense<0.000000e+00> : vector<1664x128xf32>
    %dot_general3A_412 = tpu.matmul %add3A_405, %get3A_410, %dot_general3A_411 {dimension_numbers = #tpu.dot_dimension_numbers<[1], [0], [0], [1], [0, 0, 1, 1], [], []>, transpose_lhs_hint = false} : vector<1664x16xf32>, vector<16x128xf32>, vector<1664x128xf32> -> vector<1664x128xf32>
    %get3A_413 = arith.constant 1 : index
    %get3A_414 = arith.constant 0 : index
    %get3A_415 = arith.constant 0 : index
    %get3A_416 = vector.load %arg17[%get3A_413, %get3A_414, %get3A_415] : memref<5x1x128xf32, #tpu.memory_space<vmem>>, vector<1x1x128xf32>
    %get3A_417 = vector.shape_cast %get3A_416 : vector<1x1x128xf32> to vector<1x128xf32>
    %add3A_418 = vector.broadcast %get3A_417 : vector<1x128xf32> to vector<1664x128xf32>
    %add3A_419 = arith.addf %dot_general3A_412, %add3A_418 : vector<1664x128xf32>
    %mul3A_420 = arith.constant 0.999994993 : f32
    %mul3A_421 = vector.broadcast %mul3A_420 : f32 to vector<1664x128xf32>
    %mul3A_422 = arith.mulf %add3A_419, %mul3A_421 : vector<1664x128xf32>
    %max3A_423 = arith.constant 0.000000e+00 : f32
    %max3A_424 = vector.broadcast %max3A_423 : f32 to vector<1664x128xf32>
    %max3A_425 = arith.maximumf %mul3A_422, %max3A_424 : vector<1664x128xf32>
    %get3A_426 = arith.constant 1 : index
    %get3A_427 = arith.constant 0 : index
    %get3A_428 = arith.constant 0 : index
    %get3A_429 = vector.load %arg18[%get3A_426, %get3A_427, %get3A_428] : memref<5x128x16xf32, #tpu.memory_space<vmem>>, vector<1x128x16xf32>
    %get3A_430 = vector.shape_cast %get3A_429 : vector<1x128x16xf32> to vector<128x16xf32>
    %dot_general3A_431 = arith.constant dense<0.000000e+00> : vector<1664x16xf32>
    %dot_general3A_432 = tpu.matmul %max3A_425, %get3A_430, %dot_general3A_431 {dimension_numbers = #tpu.dot_dimension_numbers<[1], [0], [0], [1], [0, 0, 1, 1], [], []>, transpose_lhs_hint = false} : vector<1664x128xf32>, vector<128x16xf32>, vector<1664x16xf32> -> vector<1664x16xf32>
    %get3A_433 = arith.constant 1 : index
    %get3A_434 = arith.constant 0 : index
    %get3A_435 = arith.constant 0 : index
    %get3A_436 = vector.load %arg19[%get3A_433, %get3A_434, %get3A_435] : memref<5x1x16xf32, #tpu.memory_space<vmem>>, vector<1x1x16xf32>
    %get3A_437 = vector.shape_cast %get3A_436 : vector<1x1x16xf32> to vector<1x16xf32>
    %add3A_438 = vector.broadcast %get3A_437 : vector<1x16xf32> to vector<1664x16xf32>
    %add3A_439 = arith.addf %dot_general3A_432, %add3A_438 : vector<1664x16xf32>
    %add3A_440 = arith.addf %add3A_370, %add3A_439 : vector<1664x16xf32>
    %get3A_441 = arith.constant 2 : index
    %get3A_442 = arith.constant 0 : index
    %get3A_443 = arith.constant 0 : index
    %get3A_444 = vector.load %arg12[%get3A_441, %get3A_442, %get3A_443] : memref<5x1x16xf32, #tpu.memory_space<vmem>>, vector<1x1x16xf32>
    %get3A_445 = vector.shape_cast %get3A_444 : vector<1x1x16xf32> to vector<1x16xf32>
    %get3A_446 = arith.constant 2 : index
    %get3A_447 = arith.constant 0 : index
    %get3A_448 = arith.constant 0 : index
    %get3A_449 = vector.load %arg13[%get3A_446, %get3A_447, %get3A_448] : memref<5x1x16xf32, #tpu.memory_space<vmem>>, vector<1x1x16xf32>
    %get3A_450 = vector.shape_cast %get3A_449 : vector<1x1x16xf32> to vector<1x16xf32>
    %reduce_sum3A_451 = arith.constant dense<0.000000e+00> : vector<1664xf32>
    %reduce_sum3A_452 = vector.multi_reduction <add>, %add3A_440, %reduce_sum3A_451 [1] : vector<1664x16xf32> to vector<1664xf32>
    %broadcast_in_dim3A_453 = vector.shape_cast %reduce_sum3A_452 : vector<1664xf32> to vector<1664x1xf32>
    %div3A_454 = arith.constant 1.600000e+01 : f32
    %div3A_455 = vector.broadcast %div3A_454 : f32 to vector<1664x1xf32>
    %div3A_456 = arith.divf %broadcast_in_dim3A_453, %div3A_455 : vector<1664x1xf32>
    %sub3A_457 = vector.broadcast %div3A_456 : vector<1664x1xf32> to vector<1664x16xf32>
    %sub3A_458 = arith.subf %add3A_440, %sub3A_457 : vector<1664x16xf32>
    %mul3A_459 = arith.mulf %sub3A_458, %sub3A_458 : vector<1664x16xf32>
    %reduce_sum3A_460 = arith.constant dense<0.000000e+00> : vector<1664xf32>
    %reduce_sum3A_461 = vector.multi_reduction <add>, %mul3A_459, %reduce_sum3A_460 [1] : vector<1664x16xf32> to vector<1664xf32>
    %broadcast_in_dim3A_462 = vector.shape_cast %reduce_sum3A_461 : vector<1664xf32> to vector<1664x1xf32>
    %mul3A_463 = arith.constant 0.0666666701 : f32
    %mul3A_464 = vector.broadcast %mul3A_463 : f32 to vector<1664x1xf32>
    %mul3A_465 = arith.mulf %broadcast_in_dim3A_462, %mul3A_464 : vector<1664x1xf32>
    %mul3A_466 = vector.broadcast %get3A_445 : vector<1x16xf32> to vector<1664x16xf32>
    %mul3A_467 = arith.mulf %mul3A_466, %sub3A_458 : vector<1664x16xf32>
    %sqrt3A_468 = math.sqrt %mul3A_465 : vector<1664x1xf32>
    %add3A_469 = arith.constant 9.99999997E-7 : f32
    %add3A_470 = vector.broadcast %add3A_469 : f32 to vector<1664x1xf32>
    %add3A_471 = arith.addf %sqrt3A_468, %add3A_470 : vector<1664x1xf32>
    %div3A_472 = vector.broadcast %add3A_471 : vector<1664x1xf32> to vector<1664x16xf32>
    %div3A_473 = arith.divf %mul3A_467, %div3A_472 : vector<1664x16xf32>
    %add3A_474 = vector.broadcast %get3A_450 : vector<1x16xf32> to vector<1664x16xf32>
    %add3A_475 = arith.addf %div3A_473, %add3A_474 : vector<1664x16xf32>
    %get3A_476 = arith.constant 2 : index
    %get3A_477 = arith.constant 0 : index
    %get3A_478 = arith.constant 0 : index
    %get3A_479 = vector.load %arg8[%get3A_476, %get3A_477, %get3A_478] : memref<5x16x48xf32, #tpu.memory_space<vmem>>, vector<1x16x48xf32>
    %get3A_480 = vector.shape_cast %get3A_479 : vector<1x16x48xf32> to vector<16x48xf32>
    %dot_general3A_481 = arith.constant dense<0.000000e+00> : vector<1664x48xf32>
    %dot_general3A_482 = tpu.matmul %add3A_475, %get3A_480, %dot_general3A_481 {dimension_numbers = #tpu.dot_dimension_numbers<[1], [0], [0], [1], [0, 0, 1, 1], [], []>, transpose_lhs_hint = false} : vector<1664x16xf32>, vector<16x48xf32>, vector<1664x48xf32> -> vector<1664x48xf32>
    %get3A_483 = arith.constant 2 : index
    %get3A_484 = arith.constant 0 : index
    %get3A_485 = arith.constant 0 : index
    %get3A_486 = vector.load %arg9[%get3A_483, %get3A_484, %get3A_485] : memref<5x1x48xf32, #tpu.memory_space<vmem>>, vector<1x1x48xf32>
    %get3A_487 = vector.shape_cast %get3A_486 : vector<1x1x48xf32> to vector<1x48xf32>
    %add3A_488 = vector.broadcast %get3A_487 : vector<1x48xf32> to vector<1664x48xf32>
    %add3A_489 = arith.addf %dot_general3A_482, %add3A_488 : vector<1664x48xf32>
    %slice3A_490 = vector.extract_strided_slice %add3A_489 {offsets = [0, 0], sizes = [1664, 16], strides = [1, 1]} : vector<1664x48xf32> to vector<1664x16xf32>
    %slice3A_491 = vector.extract_strided_slice %add3A_489 {offsets = [0, 16], sizes = [1664, 16], strides = [1, 1]} : vector<1664x48xf32> to vector<1664x16xf32>
    %slice3A_492 = vector.extract_strided_slice %add3A_489 {offsets = [0, 32], sizes = [1664, 16], strides = [1, 1]} : vector<1664x48xf32> to vector<1664x16xf32>
    %slice3A_493 = vector.extract_strided_slice %slice3A_490 {offsets = [0, 0], sizes = [416, 16], strides = [1, 1]} : vector<1664x16xf32> to vector<416x16xf32>
    %slice3A_494 = vector.extract_strided_slice %slice3A_491 {offsets = [0, 0], sizes = [416, 16], strides = [1, 1]} : vector<1664x16xf32> to vector<416x16xf32>
    %slice3A_495 = vector.extract_strided_slice %slice3A_492 {offsets = [0, 0], sizes = [416, 16], strides = [1, 1]} : vector<1664x16xf32> to vector<416x16xf32>
    %dot_general3A_496 = arith.constant dense<0.000000e+00> : vector<416x416xf32>
    %dot_general3A_497 = tpu.matmul %slice3A_493, %slice3A_494, %dot_general3A_496 {dimension_numbers = #tpu.dot_dimension_numbers<[1], [1], [0], [0], [0, 0, 1, 0], [], []>, transpose_lhs_hint = false} : vector<416x16xf32>, vector<416x16xf32>, vector<416x416xf32> -> vector<416x416xf32>
    %mul3A_498 = arith.mulf %dot_general3A_497, %get3A_105 : vector<416x416xf32>
    %dot_general3A_499 = arith.constant dense<0.000000e+00> : vector<416x16xf32>
    %dot_general3A_500 = tpu.matmul %mul3A_498, %slice3A_495, %dot_general3A_499 {dimension_numbers = #tpu.dot_dimension_numbers<[1], [0], [0], [1], [0, 0, 1, 1], [], []>, transpose_lhs_hint = false} : vector<416x416xf32>, vector<416x16xf32>, vector<416x16xf32> -> vector<416x16xf32>
    %slice3A_501 = vector.extract_strided_slice %slice3A_490 {offsets = [416, 0], sizes = [416, 16], strides = [1, 1]} : vector<1664x16xf32> to vector<416x16xf32>
    %slice3A_502 = vector.extract_strided_slice %slice3A_491 {offsets = [416, 0], sizes = [416, 16], strides = [1, 1]} : vector<1664x16xf32> to vector<416x16xf32>
    %slice3A_503 = vector.extract_strided_slice %slice3A_492 {offsets = [416, 0], sizes = [416, 16], strides = [1, 1]} : vector<1664x16xf32> to vector<416x16xf32>
    %dot_general3A_504 = arith.constant dense<0.000000e+00> : vector<416x416xf32>
    %dot_general3A_505 = tpu.matmul %slice3A_501, %slice3A_502, %dot_general3A_504 {dimension_numbers = #tpu.dot_dimension_numbers<[1], [1], [0], [0], [0, 0, 1, 0], [], []>, transpose_lhs_hint = false} : vector<416x16xf32>, vector<416x16xf32>, vector<416x416xf32> -> vector<416x416xf32>
    %mul3A_506 = arith.mulf %dot_general3A_505, %get3A_105 : vector<416x416xf32>
    %dot_general3A_507 = arith.constant dense<0.000000e+00> : vector<416x16xf32>
    %dot_general3A_508 = tpu.matmul %mul3A_506, %slice3A_503, %dot_general3A_507 {dimension_numbers = #tpu.dot_dimension_numbers<[1], [0], [0], [1], [0, 0, 1, 1], [], []>, transpose_lhs_hint = false} : vector<416x416xf32>, vector<416x16xf32>, vector<416x16xf32> -> vector<416x16xf32>
    %slice3A_509 = vector.extract_strided_slice %slice3A_490 {offsets = [832, 0], sizes = [416, 16], strides = [1, 1]} : vector<1664x16xf32> to vector<416x16xf32>
    %slice3A_510 = vector.extract_strided_slice %slice3A_491 {offsets = [832, 0], sizes = [416, 16], strides = [1, 1]} : vector<1664x16xf32> to vector<416x16xf32>
    %slice3A_511 = vector.extract_strided_slice %slice3A_492 {offsets = [832, 0], sizes = [416, 16], strides = [1, 1]} : vector<1664x16xf32> to vector<416x16xf32>
    %dot_general3A_512 = arith.constant dense<0.000000e+00> : vector<416x416xf32>
    %dot_general3A_513 = tpu.matmul %slice3A_509, %slice3A_510, %dot_general3A_512 {dimension_numbers = #tpu.dot_dimension_numbers<[1], [1], [0], [0], [0, 0, 1, 0], [], []>, transpose_lhs_hint = false} : vector<416x16xf32>, vector<416x16xf32>, vector<416x416xf32> -> vector<416x416xf32>
    %mul3A_514 = arith.mulf %dot_general3A_513, %get3A_105 : vector<416x416xf32>
    %dot_general3A_515 = arith.constant dense<0.000000e+00> : vector<416x16xf32>
    %dot_general3A_516 = tpu.matmul %mul3A_514, %slice3A_511, %dot_general3A_515 {dimension_numbers = #tpu.dot_dimension_numbers<[1], [0], [0], [1], [0, 0, 1, 1], [], []>, transpose_lhs_hint = false} : vector<416x416xf32>, vector<416x16xf32>, vector<416x16xf32> -> vector<416x16xf32>
    %slice3A_517 = vector.extract_strided_slice %slice3A_490 {offsets = [1248, 0], sizes = [416, 16], strides = [1, 1]} : vector<1664x16xf32> to vector<416x16xf32>
    %slice3A_518 = vector.extract_strided_slice %slice3A_491 {offsets = [1248, 0], sizes = [416, 16], strides = [1, 1]} : vector<1664x16xf32> to vector<416x16xf32>
    %slice3A_519 = vector.extract_strided_slice %slice3A_492 {offsets = [1248, 0], sizes = [416, 16], strides = [1, 1]} : vector<1664x16xf32> to vector<416x16xf32>
    %dot_general3A_520 = arith.constant dense<0.000000e+00> : vector<416x416xf32>
    %dot_general3A_521 = tpu.matmul %slice3A_517, %slice3A_518, %dot_general3A_520 {dimension_numbers = #tpu.dot_dimension_numbers<[1], [1], [0], [0], [0, 0, 1, 0], [], []>, transpose_lhs_hint = false} : vector<416x16xf32>, vector<416x16xf32>, vector<416x416xf32> -> vector<416x416xf32>
    %mul3A_522 = arith.mulf %dot_general3A_521, %get3A_105 : vector<416x416xf32>
    %dot_general3A_523 = arith.constant dense<0.000000e+00> : vector<416x16xf32>
    %dot_general3A_524 = tpu.matmul %mul3A_522, %slice3A_519, %dot_general3A_523 {dimension_numbers = #tpu.dot_dimension_numbers<[1], [0], [0], [1], [0, 0, 1, 1], [], []>, transpose_lhs_hint = false} : vector<416x416xf32>, vector<416x16xf32>, vector<416x16xf32> -> vector<416x16xf32>
    %concatenate3A_525 = tpu.concatenate %dot_general3A_500, %dot_general3A_508, %dot_general3A_516, %dot_general3A_524 in 0 : vector<416x16xf32>, vector<416x16xf32>, vector<416x16xf32>, vector<416x16xf32> -> vector<1664x16xf32>
    %get3A_526 = arith.constant 2 : index
    %get3A_527 = arith.constant 0 : index
    %get3A_528 = arith.constant 0 : index
    %get3A_529 = vector.load %arg10[%get3A_526, %get3A_527, %get3A_528] : memref<5x16x16xf32, #tpu.memory_space<vmem>>, vector<1x16x16xf32>
    %get3A_530 = vector.shape_cast %get3A_529 : vector<1x16x16xf32> to vector<16x16xf32>
    %dot_general3A_531 = arith.constant dense<0.000000e+00> : vector<1664x16xf32>
    %dot_general3A_532 = tpu.matmul %concatenate3A_525, %get3A_530, %dot_general3A_531 {dimension_numbers = #tpu.dot_dimension_numbers<[1], [0], [0], [1], [0, 0, 1, 1], [], []>, transpose_lhs_hint = false} : vector<1664x16xf32>, vector<16x16xf32>, vector<1664x16xf32> -> vector<1664x16xf32>
    %get3A_533 = arith.constant 2 : index
    %get3A_534 = arith.constant 0 : index
    %get3A_535 = arith.constant 0 : index
    %get3A_536 = vector.load %arg11[%get3A_533, %get3A_534, %get3A_535] : memref<5x1x16xf32, #tpu.memory_space<vmem>>, vector<1x1x16xf32>
    %get3A_537 = vector.shape_cast %get3A_536 : vector<1x1x16xf32> to vector<1x16xf32>
    %add3A_538 = vector.broadcast %get3A_537 : vector<1x16xf32> to vector<1664x16xf32>
    %add3A_539 = arith.addf %dot_general3A_532, %add3A_538 : vector<1664x16xf32>
    %add3A_540 = arith.addf %add3A_440, %add3A_539 : vector<1664x16xf32>
    %get3A_541 = arith.constant 2 : index
    %get3A_542 = arith.constant 0 : index
    %get3A_543 = arith.constant 0 : index
    %get3A_544 = vector.load %arg14[%get3A_541, %get3A_542, %get3A_543] : memref<5x1x16xf32, #tpu.memory_space<vmem>>, vector<1x1x16xf32>
    %get3A_545 = vector.shape_cast %get3A_544 : vector<1x1x16xf32> to vector<1x16xf32>
    %get3A_546 = arith.constant 2 : index
    %get3A_547 = arith.constant 0 : index
    %get3A_548 = arith.constant 0 : index
    %get3A_549 = vector.load %arg15[%get3A_546, %get3A_547, %get3A_548] : memref<5x1x16xf32, #tpu.memory_space<vmem>>, vector<1x1x16xf32>
    %get3A_550 = vector.shape_cast %get3A_549 : vector<1x1x16xf32> to vector<1x16xf32>
    %reduce_sum3A_551 = arith.constant dense<0.000000e+00> : vector<1664xf32>
    %reduce_sum3A_552 = vector.multi_reduction <add>, %add3A_540, %reduce_sum3A_551 [1] : vector<1664x16xf32> to vector<1664xf32>
    %broadcast_in_dim3A_553 = vector.shape_cast %reduce_sum3A_552 : vector<1664xf32> to vector<1664x1xf32>
    %div3A_554 = arith.constant 1.600000e+01 : f32
    %div3A_555 = vector.broadcast %div3A_554 : f32 to vector<1664x1xf32>
    %div3A_556 = arith.divf %broadcast_in_dim3A_553, %div3A_555 : vector<1664x1xf32>
    %sub3A_557 = vector.broadcast %div3A_556 : vector<1664x1xf32> to vector<1664x16xf32>
    %sub3A_558 = arith.subf %add3A_540, %sub3A_557 : vector<1664x16xf32>
    %mul3A_559 = arith.mulf %sub3A_558, %sub3A_558 : vector<1664x16xf32>
    %reduce_sum3A_560 = arith.constant dense<0.000000e+00> : vector<1664xf32>
    %reduce_sum3A_561 = vector.multi_reduction <add>, %mul3A_559, %reduce_sum3A_560 [1] : vector<1664x16xf32> to vector<1664xf32>
    %broadcast_in_dim3A_562 = vector.shape_cast %reduce_sum3A_561 : vector<1664xf32> to vector<1664x1xf32>
    %mul3A_563 = arith.constant 0.0666666701 : f32
    %mul3A_564 = vector.broadcast %mul3A_563 : f32 to vector<1664x1xf32>
    %mul3A_565 = arith.mulf %broadcast_in_dim3A_562, %mul3A_564 : vector<1664x1xf32>
    %mul3A_566 = vector.broadcast %get3A_545 : vector<1x16xf32> to vector<1664x16xf32>
    %mul3A_567 = arith.mulf %mul3A_566, %sub3A_558 : vector<1664x16xf32>
    %sqrt3A_568 = math.sqrt %mul3A_565 : vector<1664x1xf32>
    %add3A_569 = arith.constant 9.99999997E-7 : f32
    %add3A_570 = vector.broadcast %add3A_569 : f32 to vector<1664x1xf32>
    %add3A_571 = arith.addf %sqrt3A_568, %add3A_570 : vector<1664x1xf32>
    %div3A_572 = vector.broadcast %add3A_571 : vector<1664x1xf32> to vector<1664x16xf32>
    %div3A_573 = arith.divf %mul3A_567, %div3A_572 : vector<1664x16xf32>
    %add3A_574 = vector.broadcast %get3A_550 : vector<1x16xf32> to vector<1664x16xf32>
    %add3A_575 = arith.addf %div3A_573, %add3A_574 : vector<1664x16xf32>
    %get3A_576 = arith.constant 2 : index
    %get3A_577 = arith.constant 0 : index
    %get3A_578 = arith.constant 0 : index
    %get3A_579 = vector.load %arg16[%get3A_576, %get3A_577, %get3A_578] : memref<5x16x128xf32, #tpu.memory_space<vmem>>, vector<1x16x128xf32>
    %get3A_580 = vector.shape_cast %get3A_579 : vector<1x16x128xf32> to vector<16x128xf32>
    %dot_general3A_581 = arith.constant dense<0.000000e+00> : vector<1664x128xf32>
    %dot_general3A_582 = tpu.matmul %add3A_575, %get3A_580, %dot_general3A_581 {dimension_numbers = #tpu.dot_dimension_numbers<[1], [0], [0], [1], [0, 0, 1, 1], [], []>, transpose_lhs_hint = false} : vector<1664x16xf32>, vector<16x128xf32>, vector<1664x128xf32> -> vector<1664x128xf32>
    %get3A_583 = arith.constant 2 : index
    %get3A_584 = arith.constant 0 : index
    %get3A_585 = arith.constant 0 : index
    %get3A_586 = vector.load %arg17[%get3A_583, %get3A_584, %get3A_585] : memref<5x1x128xf32, #tpu.memory_space<vmem>>, vector<1x1x128xf32>
    %get3A_587 = vector.shape_cast %get3A_586 : vector<1x1x128xf32> to vector<1x128xf32>
    %add3A_588 = vector.broadcast %get3A_587 : vector<1x128xf32> to vector<1664x128xf32>
    %add3A_589 = arith.addf %dot_general3A_582, %add3A_588 : vector<1664x128xf32>
    %mul3A_590 = arith.constant 0.999994993 : f32
    %mul3A_591 = vector.broadcast %mul3A_590 : f32 to vector<1664x128xf32>
    %mul3A_592 = arith.mulf %add3A_589, %mul3A_591 : vector<1664x128xf32>
    %max3A_593 = arith.constant 0.000000e+00 : f32
    %max3A_594 = vector.broadcast %max3A_593 : f32 to vector<1664x128xf32>
    %max3A_595 = arith.maximumf %mul3A_592, %max3A_594 : vector<1664x128xf32>
    %get3A_596 = arith.constant 2 : index
    %get3A_597 = arith.constant 0 : index
    %get3A_598 = arith.constant 0 : index
    %get3A_599 = vector.load %arg18[%get3A_596, %get3A_597, %get3A_598] : memref<5x128x16xf32, #tpu.memory_space<vmem>>, vector<1x128x16xf32>
    %get3A_600 = vector.shape_cast %get3A_599 : vector<1x128x16xf32> to vector<128x16xf32>
    %dot_general3A_601 = arith.constant dense<0.000000e+00> : vector<1664x16xf32>
    %dot_general3A_602 = tpu.matmul %max3A_595, %get3A_600, %dot_general3A_601 {dimension_numbers = #tpu.dot_dimension_numbers<[1], [0], [0], [1], [0, 0, 1, 1], [], []>, transpose_lhs_hint = false} : vector<1664x128xf32>, vector<128x16xf32>, vector<1664x16xf32> -> vector<1664x16xf32>
    %get3A_603 = arith.constant 2 : index
    %get3A_604 = arith.constant 0 : index
    %get3A_605 = arith.constant 0 : index
    %get3A_606 = vector.load %arg19[%get3A_603, %get3A_604, %get3A_605] : memref<5x1x16xf32, #tpu.memory_space<vmem>>, vector<1x1x16xf32>
    %get3A_607 = vector.shape_cast %get3A_606 : vector<1x1x16xf32> to vector<1x16xf32>
    %add3A_608 = vector.broadcast %get3A_607 : vector<1x16xf32> to vector<1664x16xf32>
    %add3A_609 = arith.addf %dot_general3A_602, %add3A_608 : vector<1664x16xf32>
    %add3A_610 = arith.addf %add3A_540, %add3A_609 : vector<1664x16xf32>
    %get3A_611 = arith.constant 3 : index
    %get3A_612 = arith.constant 0 : index
    %get3A_613 = arith.constant 0 : index
    %get3A_614 = vector.load %arg12[%get3A_611, %get3A_612, %get3A_613] : memref<5x1x16xf32, #tpu.memory_space<vmem>>, vector<1x1x16xf32>
    %get3A_615 = vector.shape_cast %get3A_614 : vector<1x1x16xf32> to vector<1x16xf32>
    %get3A_616 = arith.constant 3 : index
    %get3A_617 = arith.constant 0 : index
    %get3A_618 = arith.constant 0 : index
    %get3A_619 = vector.load %arg13[%get3A_616, %get3A_617, %get3A_618] : memref<5x1x16xf32, #tpu.memory_space<vmem>>, vector<1x1x16xf32>
    %get3A_620 = vector.shape_cast %get3A_619 : vector<1x1x16xf32> to vector<1x16xf32>
    %reduce_sum3A_621 = arith.constant dense<0.000000e+00> : vector<1664xf32>
    %reduce_sum3A_622 = vector.multi_reduction <add>, %add3A_610, %reduce_sum3A_621 [1] : vector<1664x16xf32> to vector<1664xf32>
    %broadcast_in_dim3A_623 = vector.shape_cast %reduce_sum3A_622 : vector<1664xf32> to vector<1664x1xf32>
    %div3A_624 = arith.constant 1.600000e+01 : f32
    %div3A_625 = vector.broadcast %div3A_624 : f32 to vector<1664x1xf32>
    %div3A_626 = arith.divf %broadcast_in_dim3A_623, %div3A_625 : vector<1664x1xf32>
    %sub3A_627 = vector.broadcast %div3A_626 : vector<1664x1xf32> to vector<1664x16xf32>
    %sub3A_628 = arith.subf %add3A_610, %sub3A_627 : vector<1664x16xf32>
    %mul3A_629 = arith.mulf %sub3A_628, %sub3A_628 : vector<1664x16xf32>
    %reduce_sum3A_630 = arith.constant dense<0.000000e+00> : vector<1664xf32>
    %reduce_sum3A_631 = vector.multi_reduction <add>, %mul3A_629, %reduce_sum3A_630 [1] : vector<1664x16xf32> to vector<1664xf32>
    %broadcast_in_dim3A_632 = vector.shape_cast %reduce_sum3A_631 : vector<1664xf32> to vector<1664x1xf32>
    %mul3A_633 = arith.constant 0.0666666701 : f32
    %mul3A_634 = vector.broadcast %mul3A_633 : f32 to vector<1664x1xf32>
    %mul3A_635 = arith.mulf %broadcast_in_dim3A_632, %mul3A_634 : vector<1664x1xf32>
    %mul3A_636 = vector.broadcast %get3A_615 : vector<1x16xf32> to vector<1664x16xf32>
    %mul3A_637 = arith.mulf %mul3A_636, %sub3A_628 : vector<1664x16xf32>
    %sqrt3A_638 = math.sqrt %mul3A_635 : vector<1664x1xf32>
    %add3A_639 = arith.constant 9.99999997E-7 : f32
    %add3A_640 = vector.broadcast %add3A_639 : f32 to vector<1664x1xf32>
    %add3A_641 = arith.addf %sqrt3A_638, %add3A_640 : vector<1664x1xf32>
    %div3A_642 = vector.broadcast %add3A_641 : vector<1664x1xf32> to vector<1664x16xf32>
    %div3A_643 = arith.divf %mul3A_637, %div3A_642 : vector<1664x16xf32>
    %add3A_644 = vector.broadcast %get3A_620 : vector<1x16xf32> to vector<1664x16xf32>
    %add3A_645 = arith.addf %div3A_643, %add3A_644 : vector<1664x16xf32>
    %get3A_646 = arith.constant 3 : index
    %get3A_647 = arith.constant 0 : index
    %get3A_648 = arith.constant 0 : index
    %get3A_649 = vector.load %arg8[%get3A_646, %get3A_647, %get3A_648] : memref<5x16x48xf32, #tpu.memory_space<vmem>>, vector<1x16x48xf32>
    %get3A_650 = vector.shape_cast %get3A_649 : vector<1x16x48xf32> to vector<16x48xf32>
    %dot_general3A_651 = arith.constant dense<0.000000e+00> : vector<1664x48xf32>
    %dot_general3A_652 = tpu.matmul %add3A_645, %get3A_650, %dot_general3A_651 {dimension_numbers = #tpu.dot_dimension_numbers<[1], [0], [0], [1], [0, 0, 1, 1], [], []>, transpose_lhs_hint = false} : vector<1664x16xf32>, vector<16x48xf32>, vector<1664x48xf32> -> vector<1664x48xf32>
    %get3A_653 = arith.constant 3 : index
    %get3A_654 = arith.constant 0 : index
    %get3A_655 = arith.constant 0 : index
    %get3A_656 = vector.load %arg9[%get3A_653, %get3A_654, %get3A_655] : memref<5x1x48xf32, #tpu.memory_space<vmem>>, vector<1x1x48xf32>
    %get3A_657 = vector.shape_cast %get3A_656 : vector<1x1x48xf32> to vector<1x48xf32>
    %add3A_658 = vector.broadcast %get3A_657 : vector<1x48xf32> to vector<1664x48xf32>
    %add3A_659 = arith.addf %dot_general3A_652, %add3A_658 : vector<1664x48xf32>
    %slice3A_660 = vector.extract_strided_slice %add3A_659 {offsets = [0, 0], sizes = [1664, 16], strides = [1, 1]} : vector<1664x48xf32> to vector<1664x16xf32>
    %slice3A_661 = vector.extract_strided_slice %add3A_659 {offsets = [0, 16], sizes = [1664, 16], strides = [1, 1]} : vector<1664x48xf32> to vector<1664x16xf32>
    %slice3A_662 = vector.extract_strided_slice %add3A_659 {offsets = [0, 32], sizes = [1664, 16], strides = [1, 1]} : vector<1664x48xf32> to vector<1664x16xf32>
    %slice3A_663 = vector.extract_strided_slice %slice3A_660 {offsets = [0, 0], sizes = [416, 16], strides = [1, 1]} : vector<1664x16xf32> to vector<416x16xf32>
    %slice3A_664 = vector.extract_strided_slice %slice3A_661 {offsets = [0, 0], sizes = [416, 16], strides = [1, 1]} : vector<1664x16xf32> to vector<416x16xf32>
    %slice3A_665 = vector.extract_strided_slice %slice3A_662 {offsets = [0, 0], sizes = [416, 16], strides = [1, 1]} : vector<1664x16xf32> to vector<416x16xf32>
    %dot_general3A_666 = arith.constant dense<0.000000e+00> : vector<416x416xf32>
    %dot_general3A_667 = tpu.matmul %slice3A_663, %slice3A_664, %dot_general3A_666 {dimension_numbers = #tpu.dot_dimension_numbers<[1], [1], [0], [0], [0, 0, 1, 0], [], []>, transpose_lhs_hint = false} : vector<416x16xf32>, vector<416x16xf32>, vector<416x416xf32> -> vector<416x416xf32>
    %mul3A_668 = arith.mulf %dot_general3A_667, %get3A_105 : vector<416x416xf32>
    %dot_general3A_669 = arith.constant dense<0.000000e+00> : vector<416x16xf32>
    %dot_general3A_670 = tpu.matmul %mul3A_668, %slice3A_665, %dot_general3A_669 {dimension_numbers = #tpu.dot_dimension_numbers<[1], [0], [0], [1], [0, 0, 1, 1], [], []>, transpose_lhs_hint = false} : vector<416x416xf32>, vector<416x16xf32>, vector<416x16xf32> -> vector<416x16xf32>
    %slice3A_671 = vector.extract_strided_slice %slice3A_660 {offsets = [416, 0], sizes = [416, 16], strides = [1, 1]} : vector<1664x16xf32> to vector<416x16xf32>
    %slice3A_672 = vector.extract_strided_slice %slice3A_661 {offsets = [416, 0], sizes = [416, 16], strides = [1, 1]} : vector<1664x16xf32> to vector<416x16xf32>
    %slice3A_673 = vector.extract_strided_slice %slice3A_662 {offsets = [416, 0], sizes = [416, 16], strides = [1, 1]} : vector<1664x16xf32> to vector<416x16xf32>
    %dot_general3A_674 = arith.constant dense<0.000000e+00> : vector<416x416xf32>
    %dot_general3A_675 = tpu.matmul %slice3A_671, %slice3A_672, %dot_general3A_674 {dimension_numbers = #tpu.dot_dimension_numbers<[1], [1], [0], [0], [0, 0, 1, 0], [], []>, transpose_lhs_hint = false} : vector<416x16xf32>, vector<416x16xf32>, vector<416x416xf32> -> vector<416x416xf32>
    %mul3A_676 = arith.mulf %dot_general3A_675, %get3A_105 : vector<416x416xf32>
    %dot_general3A_677 = arith.constant dense<0.000000e+00> : vector<416x16xf32>
    %dot_general3A_678 = tpu.matmul %mul3A_676, %slice3A_673, %dot_general3A_677 {dimension_numbers = #tpu.dot_dimension_numbers<[1], [0], [0], [1], [0, 0, 1, 1], [], []>, transpose_lhs_hint = false} : vector<416x416xf32>, vector<416x16xf32>, vector<416x16xf32> -> vector<416x16xf32>
    %slice3A_679 = vector.extract_strided_slice %slice3A_660 {offsets = [832, 0], sizes = [416, 16], strides = [1, 1]} : vector<1664x16xf32> to vector<416x16xf32>
    %slice3A_680 = vector.extract_strided_slice %slice3A_661 {offsets = [832, 0], sizes = [416, 16], strides = [1, 1]} : vector<1664x16xf32> to vector<416x16xf32>
    %slice3A_681 = vector.extract_strided_slice %slice3A_662 {offsets = [832, 0], sizes = [416, 16], strides = [1, 1]} : vector<1664x16xf32> to vector<416x16xf32>
    %dot_general3A_682 = arith.constant dense<0.000000e+00> : vector<416x416xf32>
    %dot_general3A_683 = tpu.matmul %slice3A_679, %slice3A_680, %dot_general3A_682 {dimension_numbers = #tpu.dot_dimension_numbers<[1], [1], [0], [0], [0, 0, 1, 0], [], []>, transpose_lhs_hint = false} : vector<416x16xf32>, vector<416x16xf32>, vector<416x416xf32> -> vector<416x416xf32>
    %mul3A_684 = arith.mulf %dot_general3A_683, %get3A_105 : vector<416x416xf32>
    %dot_general3A_685 = arith.constant dense<0.000000e+00> : vector<416x16xf32>
    %dot_general3A_686 = tpu.matmul %mul3A_684, %slice3A_681, %dot_general3A_685 {dimension_numbers = #tpu.dot_dimension_numbers<[1], [0], [0], [1], [0, 0, 1, 1], [], []>, transpose_lhs_hint = false} : vector<416x416xf32>, vector<416x16xf32>, vector<416x16xf32> -> vector<416x16xf32>
    %slice3A_687 = vector.extract_strided_slice %slice3A_660 {offsets = [1248, 0], sizes = [416, 16], strides = [1, 1]} : vector<1664x16xf32> to vector<416x16xf32>
    %slice3A_688 = vector.extract_strided_slice %slice3A_661 {offsets = [1248, 0], sizes = [416, 16], strides = [1, 1]} : vector<1664x16xf32> to vector<416x16xf32>
    %slice3A_689 = vector.extract_strided_slice %slice3A_662 {offsets = [1248, 0], sizes = [416, 16], strides = [1, 1]} : vector<1664x16xf32> to vector<416x16xf32>
    %dot_general3A_690 = arith.constant dense<0.000000e+00> : vector<416x416xf32>
    %dot_general3A_691 = tpu.matmul %slice3A_687, %slice3A_688, %dot_general3A_690 {dimension_numbers = #tpu.dot_dimension_numbers<[1], [1], [0], [0], [0, 0, 1, 0], [], []>, transpose_lhs_hint = false} : vector<416x16xf32>, vector<416x16xf32>, vector<416x416xf32> -> vector<416x416xf32>
    %mul3A_692 = arith.mulf %dot_general3A_691, %get3A_105 : vector<416x416xf32>
    %dot_general3A_693 = arith.constant dense<0.000000e+00> : vector<416x16xf32>
    %dot_general3A_694 = tpu.matmul %mul3A_692, %slice3A_689, %dot_general3A_693 {dimension_numbers = #tpu.dot_dimension_numbers<[1], [0], [0], [1], [0, 0, 1, 1], [], []>, transpose_lhs_hint = false} : vector<416x416xf32>, vector<416x16xf32>, vector<416x16xf32> -> vector<416x16xf32>
    %concatenate3A_695 = tpu.concatenate %dot_general3A_670, %dot_general3A_678, %dot_general3A_686, %dot_general3A_694 in 0 : vector<416x16xf32>, vector<416x16xf32>, vector<416x16xf32>, vector<416x16xf32> -> vector<1664x16xf32>
    %get3A_696 = arith.constant 3 : index
    %get3A_697 = arith.constant 0 : index
    %get3A_698 = arith.constant 0 : index
    %get3A_699 = vector.load %arg10[%get3A_696, %get3A_697, %get3A_698] : memref<5x16x16xf32, #tpu.memory_space<vmem>>, vector<1x16x16xf32>
    %get3A_700 = vector.shape_cast %get3A_699 : vector<1x16x16xf32> to vector<16x16xf32>
    %dot_general3A_701 = arith.constant dense<0.000000e+00> : vector<1664x16xf32>
    %dot_general3A_702 = tpu.matmul %concatenate3A_695, %get3A_700, %dot_general3A_701 {dimension_numbers = #tpu.dot_dimension_numbers<[1], [0], [0], [1], [0, 0, 1, 1], [], []>, transpose_lhs_hint = false} : vector<1664x16xf32>, vector<16x16xf32>, vector<1664x16xf32> -> vector<1664x16xf32>
    %get3A_703 = arith.constant 3 : index
    %get3A_704 = arith.constant 0 : index
    %get3A_705 = arith.constant 0 : index
    %get3A_706 = vector.load %arg11[%get3A_703, %get3A_704, %get3A_705] : memref<5x1x16xf32, #tpu.memory_space<vmem>>, vector<1x1x16xf32>
    %get3A_707 = vector.shape_cast %get3A_706 : vector<1x1x16xf32> to vector<1x16xf32>
    %add3A_708 = vector.broadcast %get3A_707 : vector<1x16xf32> to vector<1664x16xf32>
    %add3A_709 = arith.addf %dot_general3A_702, %add3A_708 : vector<1664x16xf32>
    %add3A_710 = arith.addf %add3A_610, %add3A_709 : vector<1664x16xf32>
    %get3A_711 = arith.constant 3 : index
    %get3A_712 = arith.constant 0 : index
    %get3A_713 = arith.constant 0 : index
    %get3A_714 = vector.load %arg14[%get3A_711, %get3A_712, %get3A_713] : memref<5x1x16xf32, #tpu.memory_space<vmem>>, vector<1x1x16xf32>
    %get3A_715 = vector.shape_cast %get3A_714 : vector<1x1x16xf32> to vector<1x16xf32>
    %get3A_716 = arith.constant 3 : index
    %get3A_717 = arith.constant 0 : index
    %get3A_718 = arith.constant 0 : index
    %get3A_719 = vector.load %arg15[%get3A_716, %get3A_717, %get3A_718] : memref<5x1x16xf32, #tpu.memory_space<vmem>>, vector<1x1x16xf32>
    %get3A_720 = vector.shape_cast %get3A_719 : vector<1x1x16xf32> to vector<1x16xf32>
    %reduce_sum3A_721 = arith.constant dense<0.000000e+00> : vector<1664xf32>
    %reduce_sum3A_722 = vector.multi_reduction <add>, %add3A_710, %reduce_sum3A_721 [1] : vector<1664x16xf32> to vector<1664xf32>
    %broadcast_in_dim3A_723 = vector.shape_cast %reduce_sum3A_722 : vector<1664xf32> to vector<1664x1xf32>
    %div3A_724 = arith.constant 1.600000e+01 : f32
    %div3A_725 = vector.broadcast %div3A_724 : f32 to vector<1664x1xf32>
    %div3A_726 = arith.divf %broadcast_in_dim3A_723, %div3A_725 : vector<1664x1xf32>
    %sub3A_727 = vector.broadcast %div3A_726 : vector<1664x1xf32> to vector<1664x16xf32>
    %sub3A_728 = arith.subf %add3A_710, %sub3A_727 : vector<1664x16xf32>
    %mul3A_729 = arith.mulf %sub3A_728, %sub3A_728 : vector<1664x16xf32>
    %reduce_sum3A_730 = arith.constant dense<0.000000e+00> : vector<1664xf32>
    %reduce_sum3A_731 = vector.multi_reduction <add>, %mul3A_729, %reduce_sum3A_730 [1] : vector<1664x16xf32> to vector<1664xf32>
    %broadcast_in_dim3A_732 = vector.shape_cast %reduce_sum3A_731 : vector<1664xf32> to vector<1664x1xf32>
    %mul3A_733 = arith.constant 0.0666666701 : f32
    %mul3A_734 = vector.broadcast %mul3A_733 : f32 to vector<1664x1xf32>
    %mul3A_735 = arith.mulf %broadcast_in_dim3A_732, %mul3A_734 : vector<1664x1xf32>
    %mul3A_736 = vector.broadcast %get3A_715 : vector<1x16xf32> to vector<1664x16xf32>
    %mul3A_737 = arith.mulf %mul3A_736, %sub3A_728 : vector<1664x16xf32>
    %sqrt3A_738 = math.sqrt %mul3A_735 : vector<1664x1xf32>
    %add3A_739 = arith.constant 9.99999997E-7 : f32
    %add3A_740 = vector.broadcast %add3A_739 : f32 to vector<1664x1xf32>
    %add3A_741 = arith.addf %sqrt3A_738, %add3A_740 : vector<1664x1xf32>
    %div3A_742 = vector.broadcast %add3A_741 : vector<1664x1xf32> to vector<1664x16xf32>
    %div3A_743 = arith.divf %mul3A_737, %div3A_742 : vector<1664x16xf32>
    %add3A_744 = vector.broadcast %get3A_720 : vector<1x16xf32> to vector<1664x16xf32>
    %add3A_745 = arith.addf %div3A_743, %add3A_744 : vector<1664x16xf32>
    %get3A_746 = arith.constant 3 : index
    %get3A_747 = arith.constant 0 : index
    %get3A_748 = arith.constant 0 : index
    %get3A_749 = vector.load %arg16[%get3A_746, %get3A_747, %get3A_748] : memref<5x16x128xf32, #tpu.memory_space<vmem>>, vector<1x16x128xf32>
    %get3A_750 = vector.shape_cast %get3A_749 : vector<1x16x128xf32> to vector<16x128xf32>
    %dot_general3A_751 = arith.constant dense<0.000000e+00> : vector<1664x128xf32>
    %dot_general3A_752 = tpu.matmul %add3A_745, %get3A_750, %dot_general3A_751 {dimension_numbers = #tpu.dot_dimension_numbers<[1], [0], [0], [1], [0, 0, 1, 1], [], []>, transpose_lhs_hint = false} : vector<1664x16xf32>, vector<16x128xf32>, vector<1664x128xf32> -> vector<1664x128xf32>
    %get3A_753 = arith.constant 3 : index
    %get3A_754 = arith.constant 0 : index
    %get3A_755 = arith.constant 0 : index
    %get3A_756 = vector.load %arg17[%get3A_753, %get3A_754, %get3A_755] : memref<5x1x128xf32, #tpu.memory_space<vmem>>, vector<1x1x128xf32>
    %get3A_757 = vector.shape_cast %get3A_756 : vector<1x1x128xf32> to vector<1x128xf32>
    %add3A_758 = vector.broadcast %get3A_757 : vector<1x128xf32> to vector<1664x128xf32>
    %add3A_759 = arith.addf %dot_general3A_752, %add3A_758 : vector<1664x128xf32>
    %mul3A_760 = arith.constant 0.999994993 : f32
    %mul3A_761 = vector.broadcast %mul3A_760 : f32 to vector<1664x128xf32>
    %mul3A_762 = arith.mulf %add3A_759, %mul3A_761 : vector<1664x128xf32>
    %max3A_763 = arith.constant 0.000000e+00 : f32
    %max3A_764 = vector.broadcast %max3A_763 : f32 to vector<1664x128xf32>
    %max3A_765 = arith.maximumf %mul3A_762, %max3A_764 : vector<1664x128xf32>
    %get3A_766 = arith.constant 3 : index
    %get3A_767 = arith.constant 0 : index
    %get3A_768 = arith.constant 0 : index
    %get3A_769 = vector.load %arg18[%get3A_766, %get3A_767, %get3A_768] : memref<5x128x16xf32, #tpu.memory_space<vmem>>, vector<1x128x16xf32>
    %get3A_770 = vector.shape_cast %get3A_769 : vector<1x128x16xf32> to vector<128x16xf32>
    %dot_general3A_771 = arith.constant dense<0.000000e+00> : vector<1664x16xf32>
    %dot_general3A_772 = tpu.matmul %max3A_765, %get3A_770, %dot_general3A_771 {dimension_numbers = #tpu.dot_dimension_numbers<[1], [0], [0], [1], [0, 0, 1, 1], [], []>, transpose_lhs_hint = false} : vector<1664x128xf32>, vector<128x16xf32>, vector<1664x16xf32> -> vector<1664x16xf32>
    %get3A_773 = arith.constant 3 : index
    %get3A_774 = arith.constant 0 : index
    %get3A_775 = arith.constant 0 : index
    %get3A_776 = vector.load %arg19[%get3A_773, %get3A_774, %get3A_775] : memref<5x1x16xf32, #tpu.memory_space<vmem>>, vector<1x1x16xf32>
    %get3A_777 = vector.shape_cast %get3A_776 : vector<1x1x16xf32> to vector<1x16xf32>
    %add3A_778 = vector.broadcast %get3A_777 : vector<1x16xf32> to vector<1664x16xf32>
    %add3A_779 = arith.addf %dot_general3A_772, %add3A_778 : vector<1664x16xf32>
    %add3A_780 = arith.addf %add3A_710, %add3A_779 : vector<1664x16xf32>
    %get3A_781 = arith.constant 4 : index
    %get3A_782 = arith.constant 0 : index
    %get3A_783 = arith.constant 0 : index
    %get3A_784 = vector.load %arg12[%get3A_781, %get3A_782, %get3A_783] : memref<5x1x16xf32, #tpu.memory_space<vmem>>, vector<1x1x16xf32>
    %get3A_785 = vector.shape_cast %get3A_784 : vector<1x1x16xf32> to vector<1x16xf32>
    %get3A_786 = arith.constant 4 : index
    %get3A_787 = arith.constant 0 : index
    %get3A_788 = arith.constant 0 : index
    %get3A_789 = vector.load %arg13[%get3A_786, %get3A_787, %get3A_788] : memref<5x1x16xf32, #tpu.memory_space<vmem>>, vector<1x1x16xf32>
    %get3A_790 = vector.shape_cast %get3A_789 : vector<1x1x16xf32> to vector<1x16xf32>
    %reduce_sum3A_791 = arith.constant dense<0.000000e+00> : vector<1664xf32>
    %reduce_sum3A_792 = vector.multi_reduction <add>, %add3A_780, %reduce_sum3A_791 [1] : vector<1664x16xf32> to vector<1664xf32>
    %broadcast_in_dim3A_793 = vector.shape_cast %reduce_sum3A_792 : vector<1664xf32> to vector<1664x1xf32>
    %div3A_794 = arith.constant 1.600000e+01 : f32
    %div3A_795 = vector.broadcast %div3A_794 : f32 to vector<1664x1xf32>
    %div3A_796 = arith.divf %broadcast_in_dim3A_793, %div3A_795 : vector<1664x1xf32>
    %sub3A_797 = vector.broadcast %div3A_796 : vector<1664x1xf32> to vector<1664x16xf32>
    %sub3A_798 = arith.subf %add3A_780, %sub3A_797 : vector<1664x16xf32>
    %mul3A_799 = arith.mulf %sub3A_798, %sub3A_798 : vector<1664x16xf32>
    %reduce_sum3A_800 = arith.constant dense<0.000000e+00> : vector<1664xf32>
    %reduce_sum3A_801 = vector.multi_reduction <add>, %mul3A_799, %reduce_sum3A_800 [1] : vector<1664x16xf32> to vector<1664xf32>
    %broadcast_in_dim3A_802 = vector.shape_cast %reduce_sum3A_801 : vector<1664xf32> to vector<1664x1xf32>
    %mul3A_803 = arith.constant 0.0666666701 : f32
    %mul3A_804 = vector.broadcast %mul3A_803 : f32 to vector<1664x1xf32>
    %mul3A_805 = arith.mulf %broadcast_in_dim3A_802, %mul3A_804 : vector<1664x1xf32>
    %mul3A_806 = vector.broadcast %get3A_785 : vector<1x16xf32> to vector<1664x16xf32>
    %mul3A_807 = arith.mulf %mul3A_806, %sub3A_798 : vector<1664x16xf32>
    %sqrt3A_808 = math.sqrt %mul3A_805 : vector<1664x1xf32>
    %add3A_809 = arith.constant 9.99999997E-7 : f32
    %add3A_810 = vector.broadcast %add3A_809 : f32 to vector<1664x1xf32>
    %add3A_811 = arith.addf %sqrt3A_808, %add3A_810 : vector<1664x1xf32>
    %div3A_812 = vector.broadcast %add3A_811 : vector<1664x1xf32> to vector<1664x16xf32>
    %div3A_813 = arith.divf %mul3A_807, %div3A_812 : vector<1664x16xf32>
    %add3A_814 = vector.broadcast %get3A_790 : vector<1x16xf32> to vector<1664x16xf32>
    %add3A_815 = arith.addf %div3A_813, %add3A_814 : vector<1664x16xf32>
    %get3A_816 = arith.constant 4 : index
    %get3A_817 = arith.constant 0 : index
    %get3A_818 = arith.constant 0 : index
    %get3A_819 = vector.load %arg8[%get3A_816, %get3A_817, %get3A_818] : memref<5x16x48xf32, #tpu.memory_space<vmem>>, vector<1x16x48xf32>
    %get3A_820 = vector.shape_cast %get3A_819 : vector<1x16x48xf32> to vector<16x48xf32>
    %dot_general3A_821 = arith.constant dense<0.000000e+00> : vector<1664x48xf32>
    %dot_general3A_822 = tpu.matmul %add3A_815, %get3A_820, %dot_general3A_821 {dimension_numbers = #tpu.dot_dimension_numbers<[1], [0], [0], [1], [0, 0, 1, 1], [], []>, transpose_lhs_hint = false} : vector<1664x16xf32>, vector<16x48xf32>, vector<1664x48xf32> -> vector<1664x48xf32>
    %get3A_823 = arith.constant 4 : index
    %get3A_824 = arith.constant 0 : index
    %get3A_825 = arith.constant 0 : index
    %get3A_826 = vector.load %arg9[%get3A_823, %get3A_824, %get3A_825] : memref<5x1x48xf32, #tpu.memory_space<vmem>>, vector<1x1x48xf32>
    %get3A_827 = vector.shape_cast %get3A_826 : vector<1x1x48xf32> to vector<1x48xf32>
    %add3A_828 = vector.broadcast %get3A_827 : vector<1x48xf32> to vector<1664x48xf32>
    %add3A_829 = arith.addf %dot_general3A_822, %add3A_828 : vector<1664x48xf32>
    %slice3A_830 = vector.extract_strided_slice %add3A_829 {offsets = [0, 0], sizes = [1664, 16], strides = [1, 1]} : vector<1664x48xf32> to vector<1664x16xf32>
    %slice3A_831 = vector.extract_strided_slice %add3A_829 {offsets = [0, 16], sizes = [1664, 16], strides = [1, 1]} : vector<1664x48xf32> to vector<1664x16xf32>
    %slice3A_832 = vector.extract_strided_slice %add3A_829 {offsets = [0, 32], sizes = [1664, 16], strides = [1, 1]} : vector<1664x48xf32> to vector<1664x16xf32>
    %slice3A_833 = vector.extract_strided_slice %slice3A_830 {offsets = [0, 0], sizes = [416, 16], strides = [1, 1]} : vector<1664x16xf32> to vector<416x16xf32>
    %slice3A_834 = vector.extract_strided_slice %slice3A_831 {offsets = [0, 0], sizes = [416, 16], strides = [1, 1]} : vector<1664x16xf32> to vector<416x16xf32>
    %slice3A_835 = vector.extract_strided_slice %slice3A_832 {offsets = [0, 0], sizes = [416, 16], strides = [1, 1]} : vector<1664x16xf32> to vector<416x16xf32>
    %dot_general3A_836 = arith.constant dense<0.000000e+00> : vector<416x416xf32>
    %dot_general3A_837 = tpu.matmul %slice3A_833, %slice3A_834, %dot_general3A_836 {dimension_numbers = #tpu.dot_dimension_numbers<[1], [1], [0], [0], [0, 0, 1, 0], [], []>, transpose_lhs_hint = false} : vector<416x16xf32>, vector<416x16xf32>, vector<416x416xf32> -> vector<416x416xf32>
    %mul3A_838 = arith.mulf %dot_general3A_837, %get3A_105 : vector<416x416xf32>
    %dot_general3A_839 = arith.constant dense<0.000000e+00> : vector<416x16xf32>
    %dot_general3A_840 = tpu.matmul %mul3A_838, %slice3A_835, %dot_general3A_839 {dimension_numbers = #tpu.dot_dimension_numbers<[1], [0], [0], [1], [0, 0, 1, 1], [], []>, transpose_lhs_hint = false} : vector<416x416xf32>, vector<416x16xf32>, vector<416x16xf32> -> vector<416x16xf32>
    %slice3A_841 = vector.extract_strided_slice %slice3A_830 {offsets = [416, 0], sizes = [416, 16], strides = [1, 1]} : vector<1664x16xf32> to vector<416x16xf32>
    %slice3A_842 = vector.extract_strided_slice %slice3A_831 {offsets = [416, 0], sizes = [416, 16], strides = [1, 1]} : vector<1664x16xf32> to vector<416x16xf32>
    %slice3A_843 = vector.extract_strided_slice %slice3A_832 {offsets = [416, 0], sizes = [416, 16], strides = [1, 1]} : vector<1664x16xf32> to vector<416x16xf32>
    %dot_general3A_844 = arith.constant dense<0.000000e+00> : vector<416x416xf32>
    %dot_general3A_845 = tpu.matmul %slice3A_841, %slice3A_842, %dot_general3A_844 {dimension_numbers = #tpu.dot_dimension_numbers<[1], [1], [0], [0], [0, 0, 1, 0], [], []>, transpose_lhs_hint = false} : vector<416x16xf32>, vector<416x16xf32>, vector<416x416xf32> -> vector<416x416xf32>
    %mul3A_846 = arith.mulf %dot_general3A_845, %get3A_105 : vector<416x416xf32>
    %dot_general3A_847 = arith.constant dense<0.000000e+00> : vector<416x16xf32>
    %dot_general3A_848 = tpu.matmul %mul3A_846, %slice3A_843, %dot_general3A_847 {dimension_numbers = #tpu.dot_dimension_numbers<[1], [0], [0], [1], [0, 0, 1, 1], [], []>, transpose_lhs_hint = false} : vector<416x416xf32>, vector<416x16xf32>, vector<416x16xf32> -> vector<416x16xf32>
    %slice3A_849 = vector.extract_strided_slice %slice3A_830 {offsets = [832, 0], sizes = [416, 16], strides = [1, 1]} : vector<1664x16xf32> to vector<416x16xf32>
    %slice3A_850 = vector.extract_strided_slice %slice3A_831 {offsets = [832, 0], sizes = [416, 16], strides = [1, 1]} : vector<1664x16xf32> to vector<416x16xf32>
    %slice3A_851 = vector.extract_strided_slice %slice3A_832 {offsets = [832, 0], sizes = [416, 16], strides = [1, 1]} : vector<1664x16xf32> to vector<416x16xf32>
    %dot_general3A_852 = arith.constant dense<0.000000e+00> : vector<416x416xf32>
    %dot_general3A_853 = tpu.matmul %slice3A_849, %slice3A_850, %dot_general3A_852 {dimension_numbers = #tpu.dot_dimension_numbers<[1], [1], [0], [0], [0, 0, 1, 0], [], []>, transpose_lhs_hint = false} : vector<416x16xf32>, vector<416x16xf32>, vector<416x416xf32> -> vector<416x416xf32>
    %mul3A_854 = arith.mulf %dot_general3A_853, %get3A_105 : vector<416x416xf32>
    %dot_general3A_855 = arith.constant dense<0.000000e+00> : vector<416x16xf32>
    %dot_general3A_856 = tpu.matmul %mul3A_854, %slice3A_851, %dot_general3A_855 {dimension_numbers = #tpu.dot_dimension_numbers<[1], [0], [0], [1], [0, 0, 1, 1], [], []>, transpose_lhs_hint = false} : vector<416x416xf32>, vector<416x16xf32>, vector<416x16xf32> -> vector<416x16xf32>
    %slice3A_857 = vector.extract_strided_slice %slice3A_830 {offsets = [1248, 0], sizes = [416, 16], strides = [1, 1]} : vector<1664x16xf32> to vector<416x16xf32>
    %slice3A_858 = vector.extract_strided_slice %slice3A_831 {offsets = [1248, 0], sizes = [416, 16], strides = [1, 1]} : vector<1664x16xf32> to vector<416x16xf32>
    %slice3A_859 = vector.extract_strided_slice %slice3A_832 {offsets = [1248, 0], sizes = [416, 16], strides = [1, 1]} : vector<1664x16xf32> to vector<416x16xf32>
    %dot_general3A_860 = arith.constant dense<0.000000e+00> : vector<416x416xf32>
    %dot_general3A_861 = tpu.matmul %slice3A_857, %slice3A_858, %dot_general3A_860 {dimension_numbers = #tpu.dot_dimension_numbers<[1], [1], [0], [0], [0, 0, 1, 0], [], []>, transpose_lhs_hint = false} : vector<416x16xf32>, vector<416x16xf32>, vector<416x416xf32> -> vector<416x416xf32>
    %mul3A_862 = arith.mulf %dot_general3A_861, %get3A_105 : vector<416x416xf32>
    %dot_general3A_863 = arith.constant dense<0.000000e+00> : vector<416x16xf32>
    %dot_general3A_864 = tpu.matmul %mul3A_862, %slice3A_859, %dot_general3A_863 {dimension_numbers = #tpu.dot_dimension_numbers<[1], [0], [0], [1], [0, 0, 1, 1], [], []>, transpose_lhs_hint = false} : vector<416x416xf32>, vector<416x16xf32>, vector<416x16xf32> -> vector<416x16xf32>
    %concatenate3A_865 = tpu.concatenate %dot_general3A_840, %dot_general3A_848, %dot_general3A_856, %dot_general3A_864 in 0 : vector<416x16xf32>, vector<416x16xf32>, vector<416x16xf32>, vector<416x16xf32> -> vector<1664x16xf32>
    %get3A_866 = arith.constant 4 : index
    %get3A_867 = arith.constant 0 : index
    %get3A_868 = arith.constant 0 : index
    %get3A_869 = vector.load %arg10[%get3A_866, %get3A_867, %get3A_868] : memref<5x16x16xf32, #tpu.memory_space<vmem>>, vector<1x16x16xf32>
    %get3A_870 = vector.shape_cast %get3A_869 : vector<1x16x16xf32> to vector<16x16xf32>
    %dot_general3A_871 = arith.constant dense<0.000000e+00> : vector<1664x16xf32>
    %dot_general3A_872 = tpu.matmul %concatenate3A_865, %get3A_870, %dot_general3A_871 {dimension_numbers = #tpu.dot_dimension_numbers<[1], [0], [0], [1], [0, 0, 1, 1], [], []>, transpose_lhs_hint = false} : vector<1664x16xf32>, vector<16x16xf32>, vector<1664x16xf32> -> vector<1664x16xf32>
    %get3A_873 = arith.constant 4 : index
    %get3A_874 = arith.constant 0 : index
    %get3A_875 = arith.constant 0 : index
    %get3A_876 = vector.load %arg11[%get3A_873, %get3A_874, %get3A_875] : memref<5x1x16xf32, #tpu.memory_space<vmem>>, vector<1x1x16xf32>
    %get3A_877 = vector.shape_cast %get3A_876 : vector<1x1x16xf32> to vector<1x16xf32>
    %add3A_878 = vector.broadcast %get3A_877 : vector<1x16xf32> to vector<1664x16xf32>
    %add3A_879 = arith.addf %dot_general3A_872, %add3A_878 : vector<1664x16xf32>
    %add3A_880 = arith.addf %add3A_780, %add3A_879 : vector<1664x16xf32>
    %get3A_881 = arith.constant 4 : index
    %get3A_882 = arith.constant 0 : index
    %get3A_883 = arith.constant 0 : index
    %get3A_884 = vector.load %arg14[%get3A_881, %get3A_882, %get3A_883] : memref<5x1x16xf32, #tpu.memory_space<vmem>>, vector<1x1x16xf32>
    %get3A_885 = vector.shape_cast %get3A_884 : vector<1x1x16xf32> to vector<1x16xf32>
    %get3A_886 = arith.constant 4 : index
    %get3A_887 = arith.constant 0 : index
    %get3A_888 = arith.constant 0 : index
    %get3A_889 = vector.load %arg15[%get3A_886, %get3A_887, %get3A_888] : memref<5x1x16xf32, #tpu.memory_space<vmem>>, vector<1x1x16xf32>
    %get3A_890 = vector.shape_cast %get3A_889 : vector<1x1x16xf32> to vector<1x16xf32>
    %reduce_sum3A_891 = arith.constant dense<0.000000e+00> : vector<1664xf32>
    %reduce_sum3A_892 = vector.multi_reduction <add>, %add3A_880, %reduce_sum3A_891 [1] : vector<1664x16xf32> to vector<1664xf32>
    %broadcast_in_dim3A_893 = vector.shape_cast %reduce_sum3A_892 : vector<1664xf32> to vector<1664x1xf32>
    %div3A_894 = arith.constant 1.600000e+01 : f32
    %div3A_895 = vector.broadcast %div3A_894 : f32 to vector<1664x1xf32>
    %div3A_896 = arith.divf %broadcast_in_dim3A_893, %div3A_895 : vector<1664x1xf32>
    %sub3A_897 = vector.broadcast %div3A_896 : vector<1664x1xf32> to vector<1664x16xf32>
    %sub3A_898 = arith.subf %add3A_880, %sub3A_897 : vector<1664x16xf32>
    %mul3A_899 = arith.mulf %sub3A_898, %sub3A_898 : vector<1664x16xf32>
    %reduce_sum3A_900 = arith.constant dense<0.000000e+00> : vector<1664xf32>
    %reduce_sum3A_901 = vector.multi_reduction <add>, %mul3A_899, %reduce_sum3A_900 [1] : vector<1664x16xf32> to vector<1664xf32>
    %broadcast_in_dim3A_902 = vector.shape_cast %reduce_sum3A_901 : vector<1664xf32> to vector<1664x1xf32>
    %mul3A_903 = arith.constant 0.0666666701 : f32
    %mul3A_904 = vector.broadcast %mul3A_903 : f32 to vector<1664x1xf32>
    %mul3A_905 = arith.mulf %broadcast_in_dim3A_902, %mul3A_904 : vector<1664x1xf32>
    %mul3A_906 = vector.broadcast %get3A_885 : vector<1x16xf32> to vector<1664x16xf32>
    %mul3A_907 = arith.mulf %mul3A_906, %sub3A_898 : vector<1664x16xf32>
    %sqrt3A_908 = math.sqrt %mul3A_905 : vector<1664x1xf32>
    %add3A_909 = arith.constant 9.99999997E-7 : f32
    %add3A_910 = vector.broadcast %add3A_909 : f32 to vector<1664x1xf32>
    %add3A_911 = arith.addf %sqrt3A_908, %add3A_910 : vector<1664x1xf32>
    %div3A_912 = vector.broadcast %add3A_911 : vector<1664x1xf32> to vector<1664x16xf32>
    %div3A_913 = arith.divf %mul3A_907, %div3A_912 : vector<1664x16xf32>
    %add3A_914 = vector.broadcast %get3A_890 : vector<1x16xf32> to vector<1664x16xf32>
    %add3A_915 = arith.addf %div3A_913, %add3A_914 : vector<1664x16xf32>
    %get3A_916 = arith.constant 4 : index
    %get3A_917 = arith.constant 0 : index
    %get3A_918 = arith.constant 0 : index
    %get3A_919 = vector.load %arg16[%get3A_916, %get3A_917, %get3A_918] : memref<5x16x128xf32, #tpu.memory_space<vmem>>, vector<1x16x128xf32>
    %get3A_920 = vector.shape_cast %get3A_919 : vector<1x16x128xf32> to vector<16x128xf32>
    %dot_general3A_921 = arith.constant dense<0.000000e+00> : vector<1664x128xf32>
    %dot_general3A_922 = tpu.matmul %add3A_915, %get3A_920, %dot_general3A_921 {dimension_numbers = #tpu.dot_dimension_numbers<[1], [0], [0], [1], [0, 0, 1, 1], [], []>, transpose_lhs_hint = false} : vector<1664x16xf32>, vector<16x128xf32>, vector<1664x128xf32> -> vector<1664x128xf32>
    %get3A_923 = arith.constant 4 : index
    %get3A_924 = arith.constant 0 : index
    %get3A_925 = arith.constant 0 : index
    %get3A_926 = vector.load %arg17[%get3A_923, %get3A_924, %get3A_925] : memref<5x1x128xf32, #tpu.memory_space<vmem>>, vector<1x1x128xf32>
    %get3A_927 = vector.shape_cast %get3A_926 : vector<1x1x128xf32> to vector<1x128xf32>
    %add3A_928 = vector.broadcast %get3A_927 : vector<1x128xf32> to vector<1664x128xf32>
    %add3A_929 = arith.addf %dot_general3A_922, %add3A_928 : vector<1664x128xf32>
    %mul3A_930 = arith.constant 0.999994993 : f32
    %mul3A_931 = vector.broadcast %mul3A_930 : f32 to vector<1664x128xf32>
    %mul3A_932 = arith.mulf %add3A_929, %mul3A_931 : vector<1664x128xf32>
    %max3A_933 = arith.constant 0.000000e+00 : f32
    %max3A_934 = vector.broadcast %max3A_933 : f32 to vector<1664x128xf32>
    %max3A_935 = arith.maximumf %mul3A_932, %max3A_934 : vector<1664x128xf32>
    %get3A_936 = arith.constant 4 : index
    %get3A_937 = arith.constant 0 : index
    %get3A_938 = arith.constant 0 : index
    %get3A_939 = vector.load %arg18[%get3A_936, %get3A_937, %get3A_938] : memref<5x128x16xf32, #tpu.memory_space<vmem>>, vector<1x128x16xf32>
    %get3A_940 = vector.shape_cast %get3A_939 : vector<1x128x16xf32> to vector<128x16xf32>
    %dot_general3A_941 = arith.constant dense<0.000000e+00> : vector<1664x16xf32>
    %dot_general3A_942 = tpu.matmul %max3A_935, %get3A_940, %dot_general3A_941 {dimension_numbers = #tpu.dot_dimension_numbers<[1], [0], [0], [1], [0, 0, 1, 1], [], []>, transpose_lhs_hint = false} : vector<1664x128xf32>, vector<128x16xf32>, vector<1664x16xf32> -> vector<1664x16xf32>
    %get3A_943 = arith.constant 4 : index
    %get3A_944 = arith.constant 0 : index
    %get3A_945 = arith.constant 0 : index
    %get3A_946 = vector.load %arg19[%get3A_943, %get3A_944, %get3A_945] : memref<5x1x16xf32, #tpu.memory_space<vmem>>, vector<1x1x16xf32>
    %get3A_947 = vector.shape_cast %get3A_946 : vector<1x1x16xf32> to vector<1x16xf32>
    %add3A_948 = vector.broadcast %get3A_947 : vector<1x16xf32> to vector<1664x16xf32>
    %add3A_949 = arith.addf %dot_general3A_942, %add3A_948 : vector<1664x16xf32>
    %add3A_950 = arith.addf %add3A_880, %add3A_949 : vector<1664x16xf32>
    %get3A_951 = arith.constant 0 : index
    %get3A_952 = arith.constant 0 : index
    %get3A_953 = vector.load %arg20[%get3A_951, %get3A_952] : memref<1x16xf32, #tpu.memory_space<vmem>>, vector<1x16xf32>
    %get3A_954 = arith.constant 0 : index
    %get3A_955 = arith.constant 0 : index
    %get3A_956 = vector.load %arg21[%get3A_954, %get3A_955] : memref<1x16xf32, #tpu.memory_space<vmem>>, vector<1x16xf32>
    %reduce_sum3A_957 = arith.constant dense<0.000000e+00> : vector<1664xf32>
    %reduce_sum3A_958 = vector.multi_reduction <add>, %add3A_950, %reduce_sum3A_957 [1] : vector<1664x16xf32> to vector<1664xf32>
    %broadcast_in_dim3A_959 = vector.shape_cast %reduce_sum3A_958 : vector<1664xf32> to vector<1664x1xf32>
    %div3A_960 = arith.constant 1.600000e+01 : f32
    %div3A_961 = vector.broadcast %div3A_960 : f32 to vector<1664x1xf32>
    %div3A_962 = arith.divf %broadcast_in_dim3A_959, %div3A_961 : vector<1664x1xf32>
    %sub3A_963 = vector.broadcast %div3A_962 : vector<1664x1xf32> to vector<1664x16xf32>
    %sub3A_964 = arith.subf %add3A_950, %sub3A_963 : vector<1664x16xf32>
    %mul3A_965 = arith.mulf %sub3A_964, %sub3A_964 : vector<1664x16xf32>
    %reduce_sum3A_966 = arith.constant dense<0.000000e+00> : vector<1664xf32>
    %reduce_sum3A_967 = vector.multi_reduction <add>, %mul3A_965, %reduce_sum3A_966 [1] : vector<1664x16xf32> to vector<1664xf32>
    %broadcast_in_dim3A_968 = vector.shape_cast %reduce_sum3A_967 : vector<1664xf32> to vector<1664x1xf32>
    %mul3A_969 = arith.constant 0.0666666701 : f32
    %mul3A_970 = vector.broadcast %mul3A_969 : f32 to vector<1664x1xf32>
    %mul3A_971 = arith.mulf %broadcast_in_dim3A_968, %mul3A_970 : vector<1664x1xf32>
    %mul3A_972 = vector.broadcast %get3A_953 : vector<1x16xf32> to vector<1664x16xf32>
    %mul3A_973 = arith.mulf %mul3A_972, %sub3A_964 : vector<1664x16xf32>
    %sqrt3A_974 = math.sqrt %mul3A_971 : vector<1664x1xf32>
    %add3A_975 = arith.constant 9.99999997E-7 : f32
    %add3A_976 = vector.broadcast %add3A_975 : f32 to vector<1664x1xf32>
    %add3A_977 = arith.addf %sqrt3A_974, %add3A_976 : vector<1664x1xf32>
    %div3A_978 = vector.broadcast %add3A_977 : vector<1664x1xf32> to vector<1664x16xf32>
    %div3A_979 = arith.divf %mul3A_973, %div3A_978 : vector<1664x16xf32>
    %add3A_980 = vector.broadcast %get3A_956 : vector<1x16xf32> to vector<1664x16xf32>
    %add3A_981 = arith.addf %div3A_979, %add3A_980 : vector<1664x16xf32>
    %get3A_982 = arith.constant 0 : index
    %get3A_983 = arith.constant 0 : index
    %get3A_984 = vector.load %arg4[%get3A_982, %get3A_983] : memref<1664x1xf32, #tpu.memory_space<vmem>>, vector<1664x1xf32>
    %mul3A_985 = arith.mulf %get3A_984, %get3A_83 : vector<1664x1xf32>
    %get3A_986 = arith.constant 0 : index
    %get3A_987 = arith.constant 0 : index
    %get3A_988 = vector.load %arg22[%get3A_986, %get3A_987] : memref<1664x4xf32, #tpu.memory_space<vmem>>, vector<1664x4xf32>
    %mul3A_989 = vector.broadcast %mul3A_985 : vector<1664x1xf32> to vector<1664x4xf32>
    %mul3A_990 = arith.mulf %mul3A_989, %get3A_988 : vector<1664x4xf32>
    %dot_general3A_991 = arith.constant dense<0.000000e+00> : vector<64x4xf32>
    %dot_general3A_992 = tpu.matmul %get3A_87, %mul3A_990, %dot_general3A_991 {dimension_numbers = #tpu.dot_dimension_numbers<[1], [0], [0], [1], [0, 0, 1, 1], [], []>, transpose_lhs_hint = false} : vector<64x1664xf32>, vector<1664x4xf32>, vector<64x4xf32> -> vector<64x4xf32>
    %get3A_993 = arith.constant 0 : index
    %get3A_994 = arith.constant 0 : index
    %get3A_995 = vector.load %arg24[%get3A_993, %get3A_994] : memref<16x4xf32, #tpu.memory_space<vmem>>, vector<16x4xf32>
    %dot_general3A_996 = arith.constant dense<0.000000e+00> : vector<64x4xf32>
    %dot_general3A_997 = tpu.matmul %mul3A_95, %get3A_995, %dot_general3A_996 {dimension_numbers = #tpu.dot_dimension_numbers<[1], [0], [0], [1], [0, 0, 1, 1], [], []>, transpose_lhs_hint = false} : vector<64x16xf32>, vector<16x4xf32>, vector<64x4xf32> -> vector<64x4xf32>
    %get3A_998 = arith.constant 0 : index
    %get3A_999 = arith.constant 0 : index
    %get3A_1000 = vector.load %arg23[%get3A_998, %get3A_999] : memref<6656x16xf32, #tpu.memory_space<vmem>>, vector<1664x16xf32>
    %mul3A_1001 = arith.mulf %add3A_981, %get3A_1000 : vector<1664x16xf32>
    %reduce_sum3A_1002 = arith.constant dense<0.000000e+00> : vector<1664xf32>
    %reduce_sum3A_1003 = vector.multi_reduction <add>, %mul3A_1001, %reduce_sum3A_1002 [1] : vector<1664x16xf32> to vector<1664xf32>
    %broadcast_in_dim3A_1004 = vector.shape_cast %reduce_sum3A_1003 : vector<1664xf32> to vector<1664x1xf32>
    %get3A_1005 = arith.constant 1664 : index
    %get3A_1006 = arith.constant 0 : index
    %get3A_1007 = vector.load %arg23[%get3A_1005, %get3A_1006] : memref<6656x16xf32, #tpu.memory_space<vmem>>, vector<1664x16xf32>
    %mul3A_1008 = arith.mulf %add3A_981, %get3A_1007 : vector<1664x16xf32>
    %reduce_sum3A_1009 = arith.constant dense<0.000000e+00> : vector<1664xf32>
    %reduce_sum3A_1010 = vector.multi_reduction <add>, %mul3A_1008, %reduce_sum3A_1009 [1] : vector<1664x16xf32> to vector<1664xf32>
    %broadcast_in_dim3A_1011 = vector.shape_cast %reduce_sum3A_1010 : vector<1664xf32> to vector<1664x1xf32>
    %get3A_1012 = arith.constant 3328 : index
    %get3A_1013 = arith.constant 0 : index
    %get3A_1014 = vector.load %arg23[%get3A_1012, %get3A_1013] : memref<6656x16xf32, #tpu.memory_space<vmem>>, vector<1664x16xf32>
    %mul3A_1015 = arith.mulf %add3A_981, %get3A_1014 : vector<1664x16xf32>
    %reduce_sum3A_1016 = arith.constant dense<0.000000e+00> : vector<1664xf32>
    %reduce_sum3A_1017 = vector.multi_reduction <add>, %mul3A_1015, %reduce_sum3A_1016 [1] : vector<1664x16xf32> to vector<1664xf32>
    %broadcast_in_dim3A_1018 = vector.shape_cast %reduce_sum3A_1017 : vector<1664xf32> to vector<1664x1xf32>
    %get3A_1019 = arith.constant 4992 : index
    %get3A_1020 = arith.constant 0 : index
    %get3A_1021 = vector.load %arg23[%get3A_1019, %get3A_1020] : memref<6656x16xf32, #tpu.memory_space<vmem>>, vector<1664x16xf32>
    %mul3A_1022 = arith.mulf %add3A_981, %get3A_1021 : vector<1664x16xf32>
    %reduce_sum3A_1023 = arith.constant dense<0.000000e+00> : vector<1664xf32>
    %reduce_sum3A_1024 = vector.multi_reduction <add>, %mul3A_1022, %reduce_sum3A_1023 [1] : vector<1664x16xf32> to vector<1664xf32>
    %broadcast_in_dim3A_1025 = vector.shape_cast %reduce_sum3A_1024 : vector<1664xf32> to vector<1664x1xf32>
    %concatenate3A_1026 = tpu.concatenate %broadcast_in_dim3A_1004, %broadcast_in_dim3A_1011, %broadcast_in_dim3A_1018, %broadcast_in_dim3A_1025 in 1 : vector<1664x1xf32>, vector<1664x1xf32>, vector<1664x1xf32>, vector<1664x1xf32> -> vector<1664x4xf32>
    %dot_general3A_1027 = arith.constant dense<0.000000e+00> : vector<64x4xf32>
    %dot_general3A_1028 = tpu.matmul %get3A_87, %concatenate3A_1026, %dot_general3A_1027 {dimension_numbers = #tpu.dot_dimension_numbers<[1], [0], [0], [1], [0, 0, 1, 1], [], []>, transpose_lhs_hint = false} : vector<64x1664xf32>, vector<1664x4xf32>, vector<64x4xf32> -> vector<64x4xf32>
    %get3A_1029 = arith.constant 0 : index
    %get3A_1030 = arith.constant 0 : index
    %get3A_1031 = vector.load %arg25[%get3A_1029, %get3A_1030] : memref<3x4xf32, #tpu.memory_space<vmem>>, vector<3x4xf32>
    %get3A_1032 = arith.constant 0 : index
    %get3A_1033 = arith.constant 0 : index
    %get3A_1034 = vector.load %arg26[%get3A_1032, %get3A_1033] : memref<12x128xf32, #tpu.memory_space<vmem>>, vector<12x128xf32>
    %slice3A_1035 = vector.extract_strided_slice %get3A_1031 {offsets = [0, 0], sizes = [1, 4], strides = [1, 1]} : vector<3x4xf32> to vector<1x4xf32>
    %add3A_1036 = vector.broadcast %slice3A_1035 : vector<1x4xf32> to vector<64x4xf32>
    %add3A_1037 = arith.addf %dot_general3A_992, %add3A_1036 : vector<64x4xf32>
    %slice3A_1038 = vector.extract_strided_slice %get3A_1034 {offsets = [0, 0], sizes = [4, 128], strides = [1, 1]} : vector<12x128xf32> to vector<4x128xf32>
    %dot_general3A_1039 = arith.constant dense<0.000000e+00> : vector<64x128xf32>
    %dot_general3A_1040 = tpu.matmul %add3A_1037, %slice3A_1038, %dot_general3A_1039 {dimension_numbers = #tpu.dot_dimension_numbers<[1], [0], [0], [1], [0, 0, 1, 1], [], []>, transpose_lhs_hint = false} : vector<64x4xf32>, vector<4x128xf32>, vector<64x128xf32> -> vector<64x128xf32>
    %slice3A_1041 = vector.extract_strided_slice %get3A_1031 {offsets = [1, 0], sizes = [1, 4], strides = [1, 1]} : vector<3x4xf32> to vector<1x4xf32>
    %add3A_1042 = vector.broadcast %slice3A_1041 : vector<1x4xf32> to vector<64x4xf32>
    %add3A_1043 = arith.addf %dot_general3A_997, %add3A_1042 : vector<64x4xf32>
    %slice3A_1044 = vector.extract_strided_slice %get3A_1034 {offsets = [4, 0], sizes = [4, 128], strides = [1, 1]} : vector<12x128xf32> to vector<4x128xf32>
    %dot_general3A_1045 = arith.constant dense<0.000000e+00> : vector<64x128xf32>
    %dot_general3A_1046 = tpu.matmul %add3A_1043, %slice3A_1044, %dot_general3A_1045 {dimension_numbers = #tpu.dot_dimension_numbers<[1], [0], [0], [1], [0, 0, 1, 1], [], []>, transpose_lhs_hint = false} : vector<64x4xf32>, vector<4x128xf32>, vector<64x128xf32> -> vector<64x128xf32>
    %add3A_1047 = arith.addf %dot_general3A_1040, %dot_general3A_1046 : vector<64x128xf32>
    %slice3A_1048 = vector.extract_strided_slice %get3A_1031 {offsets = [2, 0], sizes = [1, 4], strides = [1, 1]} : vector<3x4xf32> to vector<1x4xf32>
    %add3A_1049 = vector.broadcast %slice3A_1048 : vector<1x4xf32> to vector<64x4xf32>
    %add3A_1050 = arith.addf %dot_general3A_1028, %add3A_1049 : vector<64x4xf32>
    %slice3A_1051 = vector.extract_strided_slice %get3A_1034 {offsets = [8, 0], sizes = [4, 128], strides = [1, 1]} : vector<12x128xf32> to vector<4x128xf32>
    %dot_general3A_1052 = arith.constant dense<0.000000e+00> : vector<64x128xf32>
    %dot_general3A_1053 = tpu.matmul %add3A_1050, %slice3A_1051, %dot_general3A_1052 {dimension_numbers = #tpu.dot_dimension_numbers<[1], [0], [0], [1], [0, 0, 1, 1], [], []>, transpose_lhs_hint = false} : vector<64x4xf32>, vector<4x128xf32>, vector<64x128xf32> -> vector<64x128xf32>
    %add3A_1054 = arith.addf %add3A_1047, %dot_general3A_1053 : vector<64x128xf32>
    %get3A_1055 = arith.constant 0 : index
    %get3A_1056 = arith.constant 0 : index
    %get3A_1057 = vector.load %arg27[%get3A_1055, %get3A_1056] : memref<1x128xf32, #tpu.memory_space<vmem>>, vector<1x128xf32>
    %add3A_1058 = vector.broadcast %get3A_1057 : vector<1x128xf32> to vector<64x128xf32>
    %add3A_1059 = arith.addf %add3A_1054, %add3A_1058 : vector<64x128xf32>
    %mul3A_1060 = arith.constant 0.999994993 : f32
    %mul3A_1061 = vector.broadcast %mul3A_1060 : f32 to vector<64x128xf32>
    %mul3A_1062 = arith.mulf %add3A_1059, %mul3A_1061 : vector<64x128xf32>
    %max3A_1063 = arith.constant 0.000000e+00 : f32
    %max3A_1064 = vector.broadcast %max3A_1063 : f32 to vector<64x128xf32>
    %max3A_1065 = arith.maximumf %mul3A_1062, %max3A_1064 : vector<64x128xf32>
    %get3A_1066 = arith.constant 0 : index
    %get3A_1067 = arith.constant 0 : index
    %get3A_1068 = vector.load %arg28[%get3A_1066, %get3A_1067] : memref<128x2xf32, #tpu.memory_space<vmem>>, vector<128x2xf32>
    %dot_general3A_1069 = arith.constant dense<0.000000e+00> : vector<64x2xf32>
    %dot_general3A_1070 = tpu.matmul %max3A_1065, %get3A_1068, %dot_general3A_1069 {dimension_numbers = #tpu.dot_dimension_numbers<[1], [0], [0], [1], [0, 0, 1, 1], [], []>, transpose_lhs_hint = false} : vector<64x128xf32>, vector<128x2xf32>, vector<64x2xf32> -> vector<64x2xf32>
    %get3A_1071 = arith.constant 0 : index
    %get3A_1072 = arith.constant 0 : index
    %get3A_1073 = vector.load %arg29[%get3A_1071, %get3A_1072] : memref<1x2xf32, #tpu.memory_space<vmem>>, vector<1x2xf32>
    %add3A_1074 = vector.broadcast %get3A_1073 : vector<1x2xf32> to vector<64x2xf32>
    %add3A_1075 = arith.addf %dot_general3A_1070, %add3A_1074 : vector<64x2xf32>
    %swap3A = arith.constant 0 : index
    %swap3A_1076 = arith.constant 0 : index
    %swap3A_1077 = vector.load %arg30[%swap3A, %swap3A_1076] : memref<64x2xf32, #tpu.memory_space<vmem>>, vector<64x2xf32>
    tpu.vector_store %arg30[%swap3A, %swap3A_1076], %add3A_1075 {strides = array<i32>} : memref<64x2xf32, #tpu.memory_space<vmem>>, vector<64x2xf32>,
    return
  }
  func.func @transform_0(%arg0: i32) -> (i32, i32) {
    %c0_i32 = arith.constant 0 : i32
    %c0_i32_0 = arith.constant 0 : i32
    return %arg0, %c0_i32 : i32, i32
  }
  func.func @transform_1(%arg0: i32) -> (i32, i32) {
    %c0_i32 = arith.constant 0 : i32
    %c0_i32_0 = arith.constant 0 : i32
    return %arg0, %c0_i32 : i32, i32
  }
  func.func @transform_2(%arg0: i32) -> (i32, i32) {
    %c0_i32 = arith.constant 0 : i32
    %c0_i32_0 = arith.constant 0 : i32
    return %arg0, %c0_i32 : i32, i32
  }
  func.func @transform_3(%arg0: i32) -> (i32, i32) {
    %c0_i32 = arith.constant 0 : i32
    %c0_i32_0 = arith.constant 0 : i32
    return %arg0, %c0_i32 : i32, i32
  }
  func.func @transform_4(%arg0: i32) -> (i32, i32) {
    %c0_i32 = arith.constant 0 : i32
    %c0_i32_0 = arith.constant 0 : i32
    %c0_i32_1 = arith.constant 0 : i32
    return %c0_i32, %c0_i32_0 : i32, i32
  }
  func.func @transform_5(%arg0: i32) -> (i32, i32) {
    %c0_i32 = arith.constant 0 : i32
    %c0_i32_0 = arith.constant 0 : i32
    %c0_i32_1 = arith.constant 0 : i32
    return %c0_i32, %c0_i32_0 : i32, i32
  }
  func.func @transform_6(%arg0: i32) -> (i32, i32) {
    %c0_i32 = arith.constant 0 : i32
    %c0_i32_0 = arith.constant 0 : i32
    %c0_i32_1 = arith.constant 0 : i32
    return %c0_i32, %c0_i32_0 : i32, i32
  }
  func.func @transform_7(%arg0: i32) -> (i32, i32, i32) {
    %c0_i32 = arith.constant 0 : i32
    %c0_i32_0 = arith.constant 0 : i32
    %c0_i32_1 = arith.constant 0 : i32
    %c0_i32_2 = arith.constant 0 : i32
    return %c0_i32, %c0_i32_0, %c0_i32_1 : i32, i32, i32
  }
  func.func @transform_8(%arg0: i32) -> (i32, i32, i32) {
    %c0_i32 = arith.constant 0 : i32
    %c0_i32_0 = arith.constant 0 : i32
    %c0_i32_1 = arith.constant 0 : i32
    %c0_i32_2 = arith.constant 0 : i32
    return %c0_i32, %c0_i32_0, %c0_i32_1 : i32, i32, i32
  }
  func.func @transform_9(%arg0: i32) -> (i32, i32, i32) {
    %c0_i32 = arith.constant 0 : i32
    %c0_i32_0 = arith.constant 0 : i32
    %c0_i32_1 = arith.constant 0 : i32
    %c0_i32_2 = arith.constant 0 : i32
    return %c0_i32, %c0_i32_0, %c0_i32_1 : i32, i32, i32
  }
  func.func @transform_10(%arg0: i32) -> (i32, i32, i32) {
    %c0_i32 = arith.constant 0 : i32
    %c0_i32_0 = arith.constant 0 : i32
    %c0_i32_1 = arith.constant 0 : i32
    %c0_i32_2 = arith.constant 0 : i32
    return %c0_i32, %c0_i32_0, %c0_i32_1 : i32, i32, i32
  }
  func.func @transform_11(%arg0: i32) -> (i32, i32, i32) {
    %c0_i32 = arith.constant 0 : i32
    %c0_i32_0 = arith.constant 0 : i32
    %c0_i32_1 = arith.constant 0 : i32
    %c0_i32_2 = arith.constant 0 : i32
    return %c0_i32, %c0_i32_0, %c0_i32_1 : i32, i32, i32
  }
  func.func @transform_12(%arg0: i32) -> (i32, i32, i32) {
    %c0_i32 = arith.constant 0 : i32
    %c0_i32_0 = arith.constant 0 : i32
    %c0_i32_1 = arith.constant 0 : i32
    %c0_i32_2 = arith.constant 0 : i32
    return %c0_i32, %c0_i32_0, %c0_i32_1 : i32, i32, i32
  }
  func.func @transform_13(%arg0: i32) -> (i32, i32, i32) {
    %c0_i32 = arith.constant 0 : i32
    %c0_i32_0 = arith.constant 0 : i32
    %c0_i32_1 = arith.constant 0 : i32
    %c0_i32_2 = arith.constant 0 : i32
    return %c0_i32, %c0_i32_0, %c0_i32_1 : i32, i32, i32
  }
  func.func @transform_14(%arg0: i32) -> (i32, i32, i32) {
    %c0_i32 = arith.constant 0 : i32
    %c0_i32_0 = arith.constant 0 : i32
    %c0_i32_1 = arith.constant 0 : i32
    %c0_i32_2 = arith.constant 0 : i32
    return %c0_i32, %c0_i32_0, %c0_i32_1 : i32, i32, i32
  }
  func.func @transform_15(%arg0: i32) -> (i32, i32, i32) {
    %c0_i32 = arith.constant 0 : i32
    %c0_i32_0 = arith.constant 0 : i32
    %c0_i32_1 = arith.constant 0 : i32
    %c0_i32_2 = arith.constant 0 : i32
    return %c0_i32, %c0_i32_0, %c0_i32_1 : i32, i32, i32
  }
  func.func @transform_16(%arg0: i32) -> (i32, i32, i32) {
    %c0_i32 = arith.constant 0 : i32
    %c0_i32_0 = arith.constant 0 : i32
    %c0_i32_1 = arith.constant 0 : i32
    %c0_i32_2 = arith.constant 0 : i32
    return %c0_i32, %c0_i32_0, %c0_i32_1 : i32, i32, i32
  }
  func.func @transform_17(%arg0: i32) -> (i32, i32, i32) {
    %c0_i32 = arith.constant 0 : i32
    %c0_i32_0 = arith.constant 0 : i32
    %c0_i32_1 = arith.constant 0 : i32
    %c0_i32_2 = arith.constant 0 : i32
    return %c0_i32, %c0_i32_0, %c0_i32_1 : i32, i32, i32
  }
  func.func @transform_18(%arg0: i32) -> (i32, i32, i32) {
    %c0_i32 = arith.constant 0 : i32
    %c0_i32_0 = arith.constant 0 : i32
    %c0_i32_1 = arith.constant 0 : i32
    %c0_i32_2 = arith.constant 0 : i32
    return %c0_i32, %c0_i32_0, %c0_i32_1 : i32, i32, i32
  }
  func.func @transform_19(%arg0: i32) -> (i32, i32) {
    %c0_i32 = arith.constant 0 : i32
    %c0_i32_0 = arith.constant 0 : i32
    %c0_i32_1 = arith.constant 0 : i32
    return %c0_i32, %c0_i32_0 : i32, i32
  }
  func.func @transform_20(%arg0: i32) -> (i32, i32) {
    %c0_i32 = arith.constant 0 : i32
    %c0_i32_0 = arith.constant 0 : i32
    %c0_i32_1 = arith.constant 0 : i32
    return %c0_i32, %c0_i32_0 : i32, i32
  }
  func.func @transform_21(%arg0: i32) -> (i32, i32) {
    %c0_i32 = arith.constant 0 : i32
    %c0_i32_0 = arith.constant 0 : i32
    %c0_i32_1 = arith.constant 0 : i32
    return %c0_i32, %c0_i32_0 : i32, i32
  }
  func.func @transform_22(%arg0: i32) -> (i32, i32) {
    %c0_i32 = arith.constant 0 : i32
    %c0_i32_0 = arith.constant 0 : i32
    %c0_i32_1 = arith.constant 0 : i32
    return %c0_i32, %c0_i32_0 : i32, i32
  }
  func.func @transform_23(%arg0: i32) -> (i32, i32) {
    %c0_i32 = arith.constant 0 : i32
    %c0_i32_0 = arith.constant 0 : i32
    %c0_i32_1 = arith.constant 0 : i32
    return %c0_i32, %c0_i32_0 : i32, i32
  }
  func.func @transform_24(%arg0: i32) -> (i32, i32) {
    %c0_i32 = arith.constant 0 : i32
    %c0_i32_0 = arith.constant 0 : i32
    %c0_i32_1 = arith.constant 0 : i32
    return %c0_i32, %c0_i32_0 : i32, i32
  }
  func.func @transform_25(%arg0: i32) -> (i32, i32) {
    %c0_i32 = arith.constant 0 : i32
    %c0_i32_0 = arith.constant 0 : i32
    %c0_i32_1 = arith.constant 0 : i32
    return %c0_i32, %c0_i32_0 : i32, i32
  }
  func.func @transform_26(%arg0: i32) -> (i32, i32) {
    %c0_i32 = arith.constant 0 : i32
    %c0_i32_0 = arith.constant 0 : i32
    %c0_i32_1 = arith.constant 0 : i32
    return %c0_i32, %c0_i32_0 : i32, i32
  }
  func.func @transform_27(%arg0: i32) -> (i32, i32) {
    %c0_i32 = arith.constant 0 : i32
    %c0_i32_0 = arith.constant 0 : i32
    %c0_i32_1 = arith.constant 0 : i32
    return %c0_i32, %c0_i32_0 : i32, i32
  }
  func.func @transform_28(%arg0: i32) -> (i32, i32) {
    %c0_i32 = arith.constant 0 : i32
    %c0_i32_0 = arith.constant 0 : i32
    %c0_i32_1 = arith.constant 0 : i32
    return %c0_i32, %c0_i32_0 : i32, i32
  }
  func.func @transform_29(%arg0: i32) -> (i32, i32) {
    %c0_i32 = arith.constant 0 : i32
    %c0_i32_0 = arith.constant 0 : i32
    return %arg0, %c0_i32 : i32, i32
  }
}

</mosaic_0001>

<sc_bundles>
// kernel: kernel.5.cloned.1.call-start
scs
__scs_entry_jumppad:
0x0: {  	(pc) =	sbr.rel $0x88, $3  }
0x1: {  	(tag) =	ssettag $0x0;
	lr =	simm.s32 $0x1  }
0x2: {  	[smem:$0x3F40] =	sst lr;
	_ =	strace $0xD0000000  }
0x3: {  	_ = 	snop  }
0x4: {  	_ = 	snop  }
0x5: {  	_ = 	snop  }
0x6: {  	_ = 	snop  }
0x7: {  	_ = 	snop  }
__scs_overlays_trampoline_lowered:
0x8: {  	[smem:$0x3F4F] =	sst s0  }
0x9: {  	[smem:$0x3F50] =	sst s1  }
0xa: {  	[smem:$0x3F51] =	sst s2  }
0xb: {  	[smem:$0x3F52] =	sst s3  }
0xc: {  	[smem:$0x3F53] =	sst s4  }
0xd: {  	[smem:$0x3F54] =	sst s5  }
0xe: {  	[smem:$0x3F55] =	sst s6  }
0xf: {  	[smem:$0x3F56] =	sst s7  }
0x10: {  	[smem:$0x3F57] =	sst s8  }
0x11: {  	[smem:$0x3F58] =	sst s9;
	s0 =	simm.s32 @!p0 $0x0  }
0x12: {  	s1 =	sld [smem:$0x3F3E];
	s0 =	simm.s32 @p0 $0x1  }
0x13: {  	[smem:$0x3F59] =	sst s0;
	s0 =	simm.s32 @!p1 $0x0  }
0x14: {  	s2 =	sld [smem:$0x3F3D];
	s0 =	simm.s32 @p1 $0x1  }
0x15: {  	[smem:$0x3F5A] =	sst s0;
	s0 =	simm.s32 @!p2 $0x0  }
0x16: {  	s3 =	sld [smem:$0x3FDB];
	s0 =	simm.s32 @p2 $0x1  }
0x17: {  	s4 =	simm.s32 $0x1BF5;
	[smem:$0x3F5C] =	sst s0  }
0x18: {  	s0 =	sld [smem:$0x3F3F];
	_ =	swait.ge [sflag:s4], $0x0  }
0x19: {  	s7 =	sld [smem:$0x3F40]  }
0x1a: {  	s8 =	sadd.s32 $0xFFFFE003, lr  }
0x1b: {  	s9 =	sadd.s32 $0xFFFFFEF7, lr;
	s5 =	simm.s32 $0xFFFFFFFF;
	p2 =	slt.u32 s8, $0xFFFFF086  }
0x1c: {  	p1 =	slt.u32 s9, $0xF7A;
	s5 =	simm.s32 @!p2 $0x0  }
0x1d: {  	s5 =	simm.s32 @p1 $0x1;
	p0 =	seq.s32 s7, s2  }
0x1e: {  	s7 =	smul.u32 @!p0 $0xF7A, s2;
	p2 =	seq.s32 @!p0 s5, $0x0  }
0x1f: {  	s9 =	smul.u32 $0xF7A, s1;
	s8 =	simm.s32 @!p0 $0x1BF5;
	p2 =	por !p2, p0  }
0x20: {  	[sflag:s8] =	ssyncset.s32 @!p0 $0xFFFFF086;
	s6 =	sadd.s32 @!p0 s3, s7;
	s7 =	simm.s32 @!p0 $0x108  }
0x21: {  	s3 =	sadd.s32 s3, s9;
	s6 =	sadd.s32 @!p0 $0x88, s6;
	s7 =	simm.s32 @p2 $0x1082  }
0x22: {  	[simem:s7], [sflag:s8] =	dma.local @!p0 [hbm:s6], $0xF7A  }
0x23: {  	s9 =	sor.u32 $0xD0000000, s2;
	s6 =	simm.s32 $0x108;
	_ =	swait.ge @!p0 [sflag:s8], $0x0  }
0x24: {  	s3 =	sadd.s32 $0x88, s3;
	s6 =	simm.s32 @!p1 $0x1082;
	[sflag:s4] =	ssyncset.s32 $0xFFFFF086  }
0x25: {  	[simem:s6], [sflag:s4] =	dma.local [hbm:s3], $0xF7A  }
0x26: {  	[smem:$0x3F40] =	sst s1;
	(tag) =	ssettag s2;
	_ =	strace s9  }
0x27: {  	s1 =	sld [smem:$0x3F50]  }
0x28: {  	s2 =	sld [smem:$0x3F51]  }
0x29: {  	s4 =	sld [smem:$0x3F53]  }
0x2a: {  	p0 =	seq.s32 s5, $0x0;
	s5 =	sld [smem:$0x3F54]  }
0x2b: {  	s6 =	sld [smem:$0x3F55]  }
0x2c: {  	s7 =	sld [smem:$0x3F56]  }
0x2d: {  	s3 =	simm.s32 $0x108;
	s8 =	sld [smem:$0x3F57]  }
0x2e: {  	s3 =	simm.s32 @!p0 $0x1082;
	s9 =	sld [smem:$0x3F58]  }
0x2f: {  	lr =	sadd.s32 s0, s3;
	s0 =	sld [smem:$0x3F4F]  }
0x30: {  	s3 =	sld [smem:$0x3F52]  }
0x31: {  	[smem:$0x3F5B] =	sst s10  }
0x32: {  	s10 =	sld [smem:$0x3F59];
	_ =	sdelay $0x3  }
0x33: {  	p0 =	seq.s32 s10, $0x1;
	s10 =	sld [smem:$0x3F5B];
	_ =	sdelay $0x3  }
0x34: {  	[smem:$0x3F5B] =	sst s10  }
0x35: {  	s10 =	sld [smem:$0x3F5A];
	_ =	sdelay $0x3  }
0x36: {  	p1 =	seq.s32 s10, $0x1;
	s10 =	sld [smem:$0x3F5B];
	_ =	sdelay $0x3  }
0x37: {  	[smem:$0x3F5B] =	sst s10  }
0x38: {  	s10 =	sld [smem:$0x3F5C]  }
0x39: {  	_ = 	snop;
	(pc) =	sbr.ind lr, $3  }
0x3a: {  	_ = 	snop  }
0x3b: {  	_ = 	snop  }
0x3c: {  	p2 =	seq.s32 s10, $0x1;
	s10 =	sld [smem:$0x3F5B]  }
0x3d: {  	_ =	shalt  }
0x3e: {  	_ =	shalt  }
0x3f: {  	_ =	shalt  }
0x40: {  	_ =	shalt  }
0x41: {  	_ =	shalt  }
0x42: {  	_ =	shalt  }
0x43: {  	_ =	shalt  }
0x44: {  	_ =	shalt  }
0x45: {  	_ =	shalt  }
0x46: {  	_ =	shalt  }
0x47: {  	_ =	shalt  }
0x48: {  	_ =	shalt  }
0x49: {  	_ =	shalt  }
0x4a: {  	_ =	shalt  }
0x4b: {  	_ =	shalt  }
0x4c: {  	_ =	shalt  }
0x4d: {  	_ =	shalt  }
0x4e: {  	_ =	shalt  }
0x4f: {  	_ =	shalt  }
0x50: {  	_ =	shalt  }
0x51: {  	_ =	shalt  }
0x52: {  	_ =	shalt  }
0x53: {  	_ =	shalt  }
0x54: {  	_ =	shalt  }
0x55: {  	_ =	shalt  }
0x56: {  	_ =	shalt  }
0x57: {  	_ =	shalt  }
0x58: {  	_ =	shalt  }
0x59: {  	_ =	shalt  }
0x5a: {  	_ =	shalt  }
0x5b: {  	_ =	shalt  }
0x5c: {  	_ =	shalt  }
0x5d: {  	_ =	shalt  }
0x5e: {  	_ =	shalt  }
0x5f: {  	_ =	shalt  }
0x60: {  	_ =	shalt  }
0x61: {  	_ =	shalt  }
0x62: {  	_ =	shalt  }
0x63: {  	_ =	shalt  }
0x64: {  	_ =	shalt  }
0x65: {  	_ =	shalt  }
0x66: {  	_ =	shalt  }
0x67: {  	_ =	shalt  }
0x68: {  	_ =	shalt  }
0x69: {  	_ =	shalt  }
0x6a: {  	_ =	shalt  }
0x6b: {  	_ =	shalt  }
0x6c: {  	_ =	shalt  }
0x6d: {  	_ =	shalt  }
0x6e: {  	_ =	shalt  }
0x6f: {  	_ =	shalt  }
0x70: {  	_ =	shalt  }
0x71: {  	_ =	shalt  }
0x72: {  	_ =	shalt  }
0x73: {  	_ =	shalt  }
0x74: {  	_ =	shalt  }
0x75: {  	_ =	shalt  }
0x76: {  	_ =	shalt  }
0x77: {  	_ =	shalt  }
0x78: {  	_ =	shalt  }
0x79: {  	_ =	shalt  }
0x7a: {  	_ =	shalt  }
0x7b: {  	_ =	shalt  }
0x7c: {  	_ =	shalt  }
0x7d: {  	_ =	shalt  }
0x7e: {  	_ =	shalt  }
0x7f: {  	_ =	shalt  }
0x80: {  	_ =	shalt  }
0x81: {  	_ =	shalt  }
0x82: {  	_ =	shalt  }
0x83: {  	_ =	shalt  }
0x84: {  	_ =	shalt  }
0x85: {  	_ =	shalt  }
0x86: {  	_ =	shalt  }
0x87: {  	_ =	shalt  }
.Lfunc_end0:
.L_simem_size_0:
called_computation.1_lowered:
.L_overlay_start_0:
0x88: {  	s2 =	sld [smem:$0x3FD9]  }
0x89: {  	s3 =	sld [smem:$0x3FFE];
	_ =	sdelay $0x1  }
0x8a: {  	s1 =	srdreg.scid  }
0x8b: {  	s0 =	sand.u32 $0x1, s1  }
0x8c: {  	s17 =	sshll.u32 s0, $0xA;
	s2 =	sadd.s32 s3, s2  }
0x8d: {  	s2 =	sadd.s32 s2, s17  }
0x8e: {  	[smem:$0x3F67] =	sst s2  }
0x8f: {  	_ = 	snop  }
0x90: {  	(tm) =	ssettm $0x1  }
0x91: {  	s18 =	sld [smem:$0x3FFB];
	_ =	sdelay $0x3  }
0x92: {  	_ =	strace s18  }
0x93: {  	s2 =	sld [smem:$0x3FFC];
	_ =	sdelay $0x3  }
0x94: {  	_ =	strace s2  }
0x95: {  	s2 =	sld [smem:$0x3FFD];
	_ =	sdelay $0x3  }
0x96: {  	_ =	strace s2  }
0x97: {  	_ =	strace $0x8FFFFFFF  }
0x98: {  	s19 =	sld [smem:$0x3FDB];
	_ =	sdelay $0x1  }
0x99: {  	s20 =	simm.s32 $_scs_section_size  }
0x9a: {  	s4 =	simm.s32 $_size__tile_overlayer_lowered;
	s5 =	simm.s32 $_tile_overlayer_lowered  }
0x9b: {  	s6 =	simm.s32 $0x1BFF;
	s21 =	sshll.u32 s5, $0x1;
	s3 =	sadd.s32 s20, s19  }
0x9c: {  	s22 =	simm.s32 $0x0;
	s4 =	sshll.u32 s4, $0x1;
	s5 =	sadd.s32 s21, s3  }
0x9d: {  	[timem:s22], [sflag:s6] =	dma.local [hbm:s5], s4  }
0x9e: {  	_ =	swait.ge [sflag:s6], s4  }
0x9f: {  	s4 =	ssub.s32 $0x0, s4;
	[sflag:s6] =	ssyncset.done $0x0  }
0xa0: {  	[sflag:s6] =	ssyncadd.s32 s4;
	_ =	sdelay $0x1  }
0xa1: {  	s23 =	simm.s32 $0x1B8B  }
0xa2: {  	_ =	swait.ge [sflag:s23], $0x1  }
0xa3: {  	[sflag:s23] =	ssyncset.done $0x0  }
0xa4: {  	[sflag:s23] =	ssyncadd.s32 $0xFFFFFFFF  }
0xa5: {  	s4 =	sld [smem:$0x0]  }
0xa6: {  	s5 =	sand.u32 $0xFFFFFFFE, s1  }
0xa7: {  	p0 =	sne.s32 s1, s5  }
0xa8: {  	s5 =	sshll.u32 @p0 s5, $0xE  }
0xa9: {  	s5 =	sadd.s32 @p0 $0x11B8D, s5;
	s6 =	sshll.u32 @p0 s4, $0x11  }
0xaa: {  	s5 =	sor.u32 @p0 s6, s5  }
0xab: {  	[sflag:s5] =	ssyncadd.remote.s32 @p0 $0x1;
	_ =	sdelay $0x1  }
0xac: {  	s5 =	simm.s32 @p0 $0x1B8D  }
0xad: {  	_ =	swait.eq @p0 [sflag:s5], $0x1  }
0xae: {  	[sflag:s5] =	ssyncadd.s32 @p0 $0xFFFFFFFF  }
0xaf: {  	s6 =	sshll.u32 @!p0 s1, $0xE  }
0xb0: {  	s6 =	sor.u32 @!p0 $0x4000, s6;
	s5 =	simm.s32 @!p0 $0x1B8D  }
0xb1: {  	s4 =	sshll.u32 @!p0 s4, $0x11;
	s6 =	sadd.s32 @!p0 $0x11B8D, s6;
	_ =	swait.eq @!p0 [sflag:s5], $0x1  }
0xb2: {  	s4 =	sor.u32 @!p0 s4, s6;
	[sflag:s5] =	ssyncadd.s32 @!p0 $0xFFFFFFFF  }
0xb3: {  	s25 =	simm.s32 $0x1B8E;
	s24 =	sld [smem:$0x3FFE];
	[sflag:s4] =	ssyncadd.remote.s32 @!p0 $0x1  }
0xb4: {  	s26 =	simm.s32 $execute0_lowered;
	[smem:$0x3FD2] =	sst s25  }
0xb5: {  	s5 =	sshll.u32 s26, $0x1;
	_ =	strace $0x8000004C;
	[dreg:$0x1] =	wrdreg $0xFFFFFFFF  }
0xb6: {  	s28 =	simm.s32 $_size_execute0_lowered;
	s3 =	sadd.s32 s3, s5;
	[dreg:$0x0] =	wrdreg $0x0  }
0xb7: {  	s5 =	sshll.u32 s28, $0x1;
	[dreg:$0x2] =	wrdreg s3  }
0xb8: {  	[dreg:$0x3] =	wrdreg s5  }
0xb9: {  	[dreg:$0x4] =	wrdreg $0xC0  }
0xba: {  	_ =	task [dreg:s22], $0x5FFFF  }
0xbb: {  	[dreg:$0x1] =	wrdreg $0xFFFFFFFF  }
0xbc: {  	[dreg:$0x0] =	wrdreg $0x60  }
0xbd: {  	[dreg:$0x2] =	wrdreg s24  }
0xbe: {  	[dreg:$0x3] =	wrdreg $0xA  }
0xbf: {  	_ =	task.clear_ibuf [dreg:s22], $0x4FFFF;
	_ =	strace $0x9000004C  }
0xc0: {  	s29 =	simm.s32 $0xA;
	_ =	strace $0x8000004E  }
0xc1: {  	_ =	swait.ge [sflag:s29], $0x1  }
0xc2: {  	[sflag:s29] =	ssyncadd.s32 $0xFFFFFFFF  }
0xc3: {  	_ =	strace $0x9000004E  }
0xc4: {  	_ =	sfence  }
0xc5: {  	s30 =	sld [smem:$0x0];
	_ =	sdelay $0x2  }
0xc6: {  	s31 =	sshll.u32 s1, $0xD;
	s1 =	sshrl.u32 s1, $0x2  }
0xc7: {  	s4 =	sand.u32 $0x4000, s31;
	s1 =	sadd.s32 s1, s30  }
0xc8: {  	s0 =	sor.u32 s4, s0;
	s1 =	sshll.u32 s1, $0x11  }
0xc9: {  	s0 =	sor.u32 s1, s0  }
0xca: {  	s0 =	sadd.s32 $0x8F2B, s0  }
0xcb: {  	[sflag:s0] =	ssyncadd.remote.s32 $0x1  }
0xcc: {  	_ =	sfence.sel $0xFFFF  }
0xcd: {  	[dreg:$0x0] =	wrdreg $0xFFFFFFFF;
	(pc) =	sbr.abs _section_cstart, $3  }
0xce: {  	[dreg:$0x1] =	wrdreg $0xFFFFFFFF  }
0xcf: {  	_ =	task.clear_ibuf [dreg:s22], $0x2FFFF;
	_ =	strace $0x9FFFFFFF  }
0xd0: {  	(tm) =	ssettm $0x7FFFFFFF  }
0xd1: {  	_ =	shalt  }
tec
execute0_lowered:
.L_overlay_start_1:
0x0: {  	(tag) =	ssettag $0x1  }
0x1: {  	s4 =	rddreg [dreg:$0x0]  }
0x2: {  	s0 =	rddreg [dreg:$0x1];
	s2 =	simm.s32 $0x0;
	s3 =	srdreg.scid  }
0x3: {  	s1 =	stileid.u32;
	s10 =	simm.s32 $0x1;
	s11 =	simm.s32 $0x0  }
0x4: {  	[smem:$0x7FF] =	sst s2;
	s3 =	sand.u32 $0x1, s3;
	s5 =	sshll.u32 s1, $0xA  }
0x5: {  	s31 =	smul.u32 $0x1A000, s1;
	_ =	strace $0x8000004D;
	s6 =	sshll.u32 s3, $0x9  }
0x6: {  	s7 =	ssub.s32 $0x2, s3;
	s9 =	smul.u32 $0xD000, s3;
	s3 =	sadd.s32 $0x282D600, s4  }
0x7: {  	s5 =	sor.u32 s6, s5;
	s8 =	sshrl.u32 s7, $0x1;
	s6 =	sadd.s32 s31, s4  }
0x8: {  	s5 =	sadd.s32 s5, s4;
	s7 =	ssub.s32 s7, s8;
	s6 =	sadd.s32 s9, s6  }
0x9: {  	s8 =	simm.s32 $0x80;
	s9 =	simm.s32 $0x1000;
	s4 =	sadd.s32 $0x27D3800, s5  }
0xa: {  	s5 =	smax.u32 s7, $0x1;
	s6 =	sadd.s32 $0x7400, s6;
	s7 =	simm.s32 $0x2  }
.LBB2_1:
0xb: {  	[tilespmem:s2], [sflag:$0x2] =	stream.linear.gather [hbm4b:s4+s2], $0xD00, $0x38;
	[tilespmem:$0x5000] =	vst v63  }
0xc: {  	_ =	swait.ge [sflag:s7], $0xD00  }
0xd: {  	[sflag:s7] =	ssyncset.done $0x0  }
0xe: {  	s12 =	simm.s32 $0x0;
	[sflag:s7] =	ssyncadd.s32 $0xFFFFF300  }
0xf: {  	[tilespmem:s9], [sflag:$0x1] =	stream.indirect.gather [hbm4b:s3+s8], $0x80, s12, s8, $0xb8;
	[tilespmem:$0x5000] =	vst v63  }
0x10: {  	_ =	swait.ge [sflag:s10], $0x4000  }
0x11: {  	[sflag:s10] =	ssyncset.done $0x0  }
0x12: {  	[sflag:s10] =	ssyncadd.s32 $0xFFFFC000  }
0x13: {  	[hbm4b:s6+s2] =	stream.linear.scatter [tilespmem:s9], [sflag:$0x2], $0x4000, $0x38;
	[tilespmem:$0x5000] =	vst v63  }
0x14: {  	s13 =	simm.s32 $0x200;
	_ =	swait.ge [sflag:s7], $0x4000  }
0x15: {  	s14 =	simm.s32 $0x400;
	s12 =	sadd.s32 $0x800, s6;
	[sflag:s7] =	ssyncset.done $0x0  }
.LBB2_2:
0x16: {  	s15 =	sshra.s32 s13, $0x2  }
0x17: {  	[sflag:s7] =	ssyncadd.s32 $0xFFFFC000;
	s13 =	smov.u32 s14;
	s16 =	sadd.s32 $0x200, s14  }
0x18: {  	[tilespmem:s9], [sflag:$0x1] =	stream.indirect.gather [hbm4b:s3+s8], $0x80, s15, s8, $0xb8;
	[tilespmem:$0x5000] =	vst v63  }
0x19: {  	p0 =	sne.s32 s14, $0x3200;
	_ =	swait.ge [sflag:s10], $0x4000  }
.Ltmp0:
0x1a: {  	[sflag:s10] =	ssyncset.done $0x0;
	(pc) =	sbr.rel @p0 .LBB2_2-.Ltmp0, $4  }
0x1b: {  	[sflag:s10] =	ssyncadd.s32 $0xFFFFC000  }
0x1c: {  	[hbm4b:s12+s2] =	stream.linear.scatter [tilespmem:s9], [sflag:$0x2], $0x4000, $0x38;
	[tilespmem:$0x5000] =	vst v63  }
0x1d: {  	_ =	swait.ge [sflag:s7], $0x4000  }
0x1e: {  	s14 =	smov.u32 s16;
	s12 =	sadd.s32 $0x800, s12;
	[sflag:s7] =	ssyncset.done $0x0  }
0x1f: {  	s13 =	sshra.s32 s13, $0x2;
	[sflag:s7] =	ssyncadd.s32 $0xFFFFC000  }
0x20: {  	[tilespmem:s9], [sflag:$0x1] =	stream.indirect.gather [hbm4b:s3+s8], $0x80, s13, s8, $0xb8;
	[tilespmem:$0x5000] =	vst v63  }
0x21: {  	s11 =	sadd.s32 $0x1, s11;
	_ =	swait.ge [sflag:s10], $0x4000  }
0x22: {  	p0 =	sne.s32 s11, s5;
	[sflag:s10] =	ssyncset.done $0x0  }
.Ltmp1:
0x23: {  	[sflag:s10] =	ssyncadd.s32 $0xFFFFC000;
	(pc) =	sbr.rel @p0 .LBB2_1-.Ltmp1, $4  }
0x24: {  	[hbm4b:s12+s2] =	stream.linear.scatter [tilespmem:s9], [sflag:$0x2], $0x4000, $0x38;
	[tilespmem:$0x5000] =	vst v63  }
0x25: {  	_ =	swait.ge [sflag:s7], $0x4000  }
0x26: {  	[sflag:s7] =	ssyncset.done $0x0  }
0x27: {  	[sflag:s7] =	ssyncadd.s32 $0xFFFFC000  }
0x28: {  	_ =	sfence.sel $0x180000  }
0x29: {  	[bflag:$0x0] =	sbarrier.arrive $0xFFFF  }
0x2a: {  	p0 =	sne.s32 s1, $0x0;
	_ =	strace $0x9000004D  }
0x2b: {  	s0 =	sadd.s32 @!p0 $0x100000, s0;
	[bflag:$0x2] =	sbarrier.arrive $0xFFFF  }
0x2c: {  	[sflag:s0] =	ssyncadd.tile.s32 @!p0 $0x1;
	_ =	shalt  }
.Lfunc_end2:
_tile_overlayer_lowered:
.L_overlay_start_2:
0x2d: {  	(tag) =	ssettag $0x2  }
0x2e: {  	s0 =	rddreg [dreg:$0x0];
	s2 =	stileid.u32  }
0x2f: {  	s1 =	rddreg [dreg:$0x1];
	p0 =	sne.s32 s2, $0x0  }
0x30: {  	s3 =	rddreg [dreg:$0x2];
	[bflag:$0x3] =	sbarrier.arrive $0xFFFF;
	s2 =	simm.s32 @!p0 $0x1C02  }
0x31: {  	[timem:s3], [sflag:s2] =	dma.local @!p0 [hbm:s0], s1  }
0x32: {  	s0 =	simm.s32 @!p0 $0x2  }
0x33: {  	_ =	swait.ge @!p0 [sflag:s0], s1  }
0x34: {  	s1 =	ssub.s32 @!p0 $0x0, s1;
	[sflag:s0] =	ssyncset.done @!p0 $0x0  }
0x35: {  	[sflag:s0] =	ssyncadd.s32 @!p0 s1  }
0x36: {  	[bflag:$0x3] =	sbarrier.arrive $0xFFFF  }
0x37: {  	_ =	shalt  }

// kernel: kernel.8.cloned.1.call-start
scs
__scs_entry_jumppad:
0x0: {  	(pc) =	sbr.rel $0x88, $3  }
0x1: {  	(tag) =	ssettag $0x0;
	lr =	simm.s32 $0x1  }
0x2: {  	[smem:$0x3F40] =	sst lr;
	_ =	strace $0xD0000000  }
0x3: {  	_ = 	snop  }
0x4: {  	_ = 	snop  }
0x5: {  	_ = 	snop  }
0x6: {  	_ = 	snop  }
0x7: {  	_ = 	snop  }
__scs_overlays_trampoline_lowered:
0x8: {  	[smem:$0x3F4F] =	sst s0  }
0x9: {  	[smem:$0x3F50] =	sst s1  }
0xa: {  	[smem:$0x3F51] =	sst s2  }
0xb: {  	[smem:$0x3F52] =	sst s3  }
0xc: {  	[smem:$0x3F53] =	sst s4  }
0xd: {  	[smem:$0x3F54] =	sst s5  }
0xe: {  	[smem:$0x3F55] =	sst s6  }
0xf: {  	[smem:$0x3F56] =	sst s7  }
0x10: {  	[smem:$0x3F57] =	sst s8  }
0x11: {  	[smem:$0x3F58] =	sst s9;
	s0 =	simm.s32 @!p0 $0x0  }
0x12: {  	s1 =	sld [smem:$0x3F3E];
	s0 =	simm.s32 @p0 $0x1  }
0x13: {  	[smem:$0x3F59] =	sst s0;
	s0 =	simm.s32 @!p1 $0x0  }
0x14: {  	s2 =	sld [smem:$0x3F3D];
	s0 =	simm.s32 @p1 $0x1  }
0x15: {  	[smem:$0x3F5A] =	sst s0;
	s0 =	simm.s32 @!p2 $0x0  }
0x16: {  	s3 =	sld [smem:$0x3FDB];
	s0 =	simm.s32 @p2 $0x1  }
0x17: {  	s4 =	simm.s32 $0x1BF5;
	[smem:$0x3F5C] =	sst s0  }
0x18: {  	s0 =	sld [smem:$0x3F3F];
	_ =	swait.ge [sflag:s4], $0x0  }
0x19: {  	s7 =	sld [smem:$0x3F40]  }
0x1a: {  	s8 =	sadd.s32 $0xFFFFE003, lr  }
0x1b: {  	s9 =	sadd.s32 $0xFFFFFEF7, lr;
	s5 =	simm.s32 $0xFFFFFFFF;
	p2 =	slt.u32 s8, $0xFFFFF086  }
0x1c: {  	p1 =	slt.u32 s9, $0xF7A;
	s5 =	simm.s32 @!p2 $0x0  }
0x1d: {  	s5 =	simm.s32 @p1 $0x1;
	p0 =	seq.s32 s7, s2  }
0x1e: {  	s7 =	smul.u32 @!p0 $0xF7A, s2;
	p2 =	seq.s32 @!p0 s5, $0x0  }
0x1f: {  	s9 =	smul.u32 $0xF7A, s1;
	s8 =	simm.s32 @!p0 $0x1BF5;
	p2 =	por !p2, p0  }
0x20: {  	[sflag:s8] =	ssyncset.s32 @!p0 $0xFFFFF086;
	s6 =	sadd.s32 @!p0 s3, s7;
	s7 =	simm.s32 @!p0 $0x108  }
0x21: {  	s3 =	sadd.s32 s3, s9;
	s6 =	sadd.s32 @!p0 $0x88, s6;
	s7 =	simm.s32 @p2 $0x1082  }
0x22: {  	[simem:s7], [sflag:s8] =	dma.local @!p0 [hbm:s6], $0xF7A  }
0x23: {  	s9 =	sor.u32 $0xD0000000, s2;
	s6 =	simm.s32 $0x108;
	_ =	swait.ge @!p0 [sflag:s8], $0x0  }
0x24: {  	s3 =	sadd.s32 $0x88, s3;
	s6 =	simm.s32 @!p1 $0x1082;
	[sflag:s4] =	ssyncset.s32 $0xFFFFF086  }
0x25: {  	[simem:s6], [sflag:s4] =	dma.local [hbm:s3], $0xF7A  }
0x26: {  	[smem:$0x3F40] =	sst s1;
	(tag) =	ssettag s2;
	_ =	strace s9  }
0x27: {  	s1 =	sld [smem:$0x3F50]  }
0x28: {  	s2 =	sld [smem:$0x3F51]  }
0x29: {  	s4 =	sld [smem:$0x3F53]  }
0x2a: {  	p0 =	seq.s32 s5, $0x0;
	s5 =	sld [smem:$0x3F54]  }
0x2b: {  	s6 =	sld [smem:$0x3F55]  }
0x2c: {  	s7 =	sld [smem:$0x3F56]  }
0x2d: {  	s3 =	simm.s32 $0x108;
	s8 =	sld [smem:$0x3F57]  }
0x2e: {  	s3 =	simm.s32 @!p0 $0x1082;
	s9 =	sld [smem:$0x3F58]  }
0x2f: {  	lr =	sadd.s32 s0, s3;
	s0 =	sld [smem:$0x3F4F]  }
0x30: {  	s3 =	sld [smem:$0x3F52]  }
0x31: {  	[smem:$0x3F5B] =	sst s10  }
0x32: {  	s10 =	sld [smem:$0x3F59];
	_ =	sdelay $0x3  }
0x33: {  	p0 =	seq.s32 s10, $0x1;
	s10 =	sld [smem:$0x3F5B];
	_ =	sdelay $0x3  }
0x34: {  	[smem:$0x3F5B] =	sst s10  }
0x35: {  	s10 =	sld [smem:$0x3F5A];
	_ =	sdelay $0x3  }
0x36: {  	p1 =	seq.s32 s10, $0x1;
	s10 =	sld [smem:$0x3F5B];
	_ =	sdelay $0x3  }
0x37: {  	[smem:$0x3F5B] =	sst s10  }
0x38: {  	s10 =	sld [smem:$0x3F5C]  }
0x39: {  	_ = 	snop;
	(pc) =	sbr.ind lr, $3  }
0x3a: {  	_ = 	snop  }
0x3b: {  	_ = 	snop  }
0x3c: {  	p2 =	seq.s32 s10, $0x1;
	s10 =	sld [smem:$0x3F5B]  }
0x3d: {  	_ =	shalt  }
0x3e: {  	_ =	shalt  }
0x3f: {  	_ =	shalt  }
0x40: {  	_ =	shalt  }
0x41: {  	_ =	shalt  }
0x42: {  	_ =	shalt  }
0x43: {  	_ =	shalt  }
0x44: {  	_ =	shalt  }
0x45: {  	_ =	shalt  }
0x46: {  	_ =	shalt  }
0x47: {  	_ =	shalt  }
0x48: {  	_ =	shalt  }
0x49: {  	_ =	shalt  }
0x4a: {  	_ =	shalt  }
0x4b: {  	_ =	shalt  }
0x4c: {  	_ =	shalt  }
0x4d: {  	_ =	shalt  }
0x4e: {  	_ =	shalt  }
0x4f: {  	_ =	shalt  }
0x50: {  	_ =	shalt  }
0x51: {  	_ =	shalt  }
0x52: {  	_ =	shalt  }
0x53: {  	_ =	shalt  }
0x54: {  	_ =	shalt  }
0x55: {  	_ =	shalt  }
0x56: {  	_ =	shalt  }
0x57: {  	_ =	shalt  }
0x58: {  	_ =	shalt  }
0x59: {  	_ =	shalt  }
0x5a: {  	_ =	shalt  }
0x5b: {  	_ =	shalt  }
0x5c: {  	_ =	shalt  }
0x5d: {  	_ =	shalt  }
0x5e: {  	_ =	shalt  }
0x5f: {  	_ =	shalt  }
0x60: {  	_ =	shalt  }
0x61: {  	_ =	shalt  }
0x62: {  	_ =	shalt  }
0x63: {  	_ =	shalt  }
0x64: {  	_ =	shalt  }
0x65: {  	_ =	shalt  }
0x66: {  	_ =	shalt  }
0x67: {  	_ =	shalt  }
0x68: {  	_ =	shalt  }
0x69: {  	_ =	shalt  }
0x6a: {  	_ =	shalt  }
0x6b: {  	_ =	shalt  }
0x6c: {  	_ =	shalt  }
0x6d: {  	_ =	shalt  }
0x6e: {  	_ =	shalt  }
0x6f: {  	_ =	shalt  }
0x70: {  	_ =	shalt  }
0x71: {  	_ =	shalt  }
0x72: {  	_ =	shalt  }
0x73: {  	_ =	shalt  }
0x74: {  	_ =	shalt  }
0x75: {  	_ =	shalt  }
0x76: {  	_ =	shalt  }
0x77: {  	_ =	shalt  }
0x78: {  	_ =	shalt  }
0x79: {  	_ =	shalt  }
0x7a: {  	_ =	shalt  }
0x7b: {  	_ =	shalt  }
0x7c: {  	_ =	shalt  }
0x7d: {  	_ =	shalt  }
0x7e: {  	_ =	shalt  }
0x7f: {  	_ =	shalt  }
0x80: {  	_ =	shalt  }
0x81: {  	_ =	shalt  }
0x82: {  	_ =	shalt  }
0x83: {  	_ =	shalt  }
0x84: {  	_ =	shalt  }
0x85: {  	_ =	shalt  }
0x86: {  	_ =	shalt  }
0x87: {  	_ =	shalt  }
.Lfunc_end0:
.L_simem_size_0:
called_computation.2_lowered:
.L_overlay_start_0:
0x88: {  	s2 =	sld [smem:$0x3FD9]  }
0x89: {  	s3 =	sld [smem:$0x3FFE];
	_ =	sdelay $0x1  }
0x8a: {  	s1 =	srdreg.scid  }
0x8b: {  	s0 =	sand.u32 $0x1, s1  }
0x8c: {  	s17 =	sshll.u32 s0, $0xA;
	s2 =	sadd.s32 s3, s2  }
0x8d: {  	s2 =	sadd.s32 s2, s17  }
0x8e: {  	[smem:$0x3F67] =	sst s2  }
0x8f: {  	_ = 	snop  }
0x90: {  	(tm) =	ssettm $0x1  }
0x91: {  	s18 =	sld [smem:$0x3FFB];
	_ =	sdelay $0x3  }
0x92: {  	_ =	strace s18  }
0x93: {  	s2 =	sld [smem:$0x3FFC];
	_ =	sdelay $0x3  }
0x94: {  	_ =	strace s2  }
0x95: {  	s2 =	sld [smem:$0x3FFD];
	_ =	sdelay $0x3  }
0x96: {  	_ =	strace s2  }
0x97: {  	_ =	strace $0x8FFFFFFF  }
0x98: {  	s19 =	sld [smem:$0x3FDB];
	_ =	sdelay $0x1  }
0x99: {  	s20 =	simm.s32 $_scs_section_size  }
0x9a: {  	s4 =	simm.s32 $_size__tile_overlayer_lowered;
	s5 =	simm.s32 $_tile_overlayer_lowered  }
0x9b: {  	s6 =	simm.s32 $0x1BFF;
	s21 =	sshll.u32 s5, $0x1;
	s3 =	sadd.s32 s20, s19  }
0x9c: {  	s22 =	simm.s32 $0x0;
	s4 =	sshll.u32 s4, $0x1;
	s5 =	sadd.s32 s21, s3  }
0x9d: {  	[timem:s22], [sflag:s6] =	dma.local [hbm:s5], s4  }
0x9e: {  	_ =	swait.ge [sflag:s6], s4  }
0x9f: {  	s4 =	ssub.s32 $0x0, s4;
	[sflag:s6] =	ssyncset.done $0x0  }
0xa0: {  	[sflag:s6] =	ssyncadd.s32 s4;
	_ =	sdelay $0x1  }
0xa1: {  	s23 =	simm.s32 $0x1B8B  }
0xa2: {  	_ =	swait.ge [sflag:s23], $0x1  }
0xa3: {  	[sflag:s23] =	ssyncset.done $0x0  }
0xa4: {  	[sflag:s23] =	ssyncadd.s32 $0xFFFFFFFF  }
0xa5: {  	s4 =	sld [smem:$0x0]  }
0xa6: {  	s5 =	sand.u32 $0xFFFFFFFE, s1  }
0xa7: {  	p0 =	sne.s32 s1, s5  }
0xa8: {  	s5 =	sshll.u32 @p0 s5, $0xE  }
0xa9: {  	s5 =	sadd.s32 @p0 $0x11B8D, s5;
	s6 =	sshll.u32 @p0 s4, $0x11  }
0xaa: {  	s5 =	sor.u32 @p0 s6, s5  }
0xab: {  	[sflag:s5] =	ssyncadd.remote.s32 @p0 $0x1;
	_ =	sdelay $0x1  }
0xac: {  	s5 =	simm.s32 @p0 $0x1B8D  }
0xad: {  	_ =	swait.eq @p0 [sflag:s5], $0x1  }
0xae: {  	[sflag:s5] =	ssyncadd.s32 @p0 $0xFFFFFFFF  }
0xaf: {  	s6 =	sshll.u32 @!p0 s1, $0xE  }
0xb0: {  	s6 =	sor.u32 @!p0 $0x4000, s6;
	s5 =	simm.s32 @!p0 $0x1B8D  }
0xb1: {  	s4 =	sshll.u32 @!p0 s4, $0x11;
	s6 =	sadd.s32 @!p0 $0x11B8D, s6;
	_ =	swait.eq @!p0 [sflag:s5], $0x1  }
0xb2: {  	s4 =	sor.u32 @!p0 s4, s6;
	[sflag:s5] =	ssyncadd.s32 @!p0 $0xFFFFFFFF  }
0xb3: {  	s25 =	simm.s32 $0x1B8E;
	s24 =	sld [smem:$0x3FFE];
	[sflag:s4] =	ssyncadd.remote.s32 @!p0 $0x1  }
0xb4: {  	s26 =	simm.s32 $execute0_lowered;
	[smem:$0x3FD2] =	sst s25  }
0xb5: {  	s5 =	sshll.u32 s26, $0x1;
	_ =	strace $0x80000049;
	[dreg:$0x1] =	wrdreg $0xFFFFFFFF  }
0xb6: {  	s28 =	simm.s32 $_size_execute0_lowered;
	s3 =	sadd.s32 s3, s5;
	[dreg:$0x0] =	wrdreg $0x0  }
0xb7: {  	s5 =	sshll.u32 s28, $0x1;
	[dreg:$0x2] =	wrdreg s3  }
0xb8: {  	[dreg:$0x3] =	wrdreg s5  }
0xb9: {  	[dreg:$0x4] =	wrdreg $0xC0  }
0xba: {  	_ =	task [dreg:s22], $0x5FFFF  }
0xbb: {  	[dreg:$0x1] =	wrdreg $0xFFFFFFFF  }
0xbc: {  	[dreg:$0x0] =	wrdreg $0x60  }
0xbd: {  	[dreg:$0x2] =	wrdreg s24  }
0xbe: {  	[dreg:$0x3] =	wrdreg $0x9  }
0xbf: {  	_ =	task.clear_ibuf [dreg:s22], $0x4FFFF;
	_ =	strace $0x90000049  }
0xc0: {  	s29 =	simm.s32 $0x9;
	_ =	strace $0x8000004B  }
0xc1: {  	_ =	swait.ge [sflag:s29], $0x1  }
0xc2: {  	[sflag:s29] =	ssyncadd.s32 $0xFFFFFFFF  }
0xc3: {  	_ =	strace $0x9000004B  }
0xc4: {  	_ =	sfence  }
0xc5: {  	s30 =	sld [smem:$0x0];
	_ =	sdelay $0x2  }
0xc6: {  	s31 =	sshll.u32 s1, $0xD;
	s1 =	sshrl.u32 s1, $0x2  }
0xc7: {  	s4 =	sand.u32 $0x4000, s31;
	s1 =	sadd.s32 s1, s30  }
0xc8: {  	s0 =	sor.u32 s4, s0;
	s1 =	sshll.u32 s1, $0x11  }
0xc9: {  	s0 =	sor.u32 s1, s0  }
0xca: {  	s0 =	sadd.s32 $0x8F2B, s0  }
0xcb: {  	[sflag:s0] =	ssyncadd.remote.s32 $0x1  }
0xcc: {  	_ =	sfence.sel $0xFFFF  }
0xcd: {  	[dreg:$0x0] =	wrdreg $0xFFFFFFFF;
	(pc) =	sbr.abs _section_cstart, $3  }
0xce: {  	[dreg:$0x1] =	wrdreg $0xFFFFFFFF  }
0xcf: {  	_ =	task.clear_ibuf [dreg:s22], $0x2FFFF;
	_ =	strace $0x9FFFFFFF  }
0xd0: {  	(tm) =	ssettm $0x7FFFFFFF  }
0xd1: {  	_ =	shalt  }
tec
execute0_lowered:
.L_overlay_start_1:
0x0: {  	(tag) =	ssettag $0x1  }
0x1: {  	s1 =	srdreg.scid  }
0x2: {  	s0 =	stileid.u32;
	s4 =	rddreg [dreg:$0x0]  }
0x3: {  	s2 =	simm.s32 $0x0;
	s7 =	simm.s32 $0x2;
	s8 =	simm.s32 $0x80  }
0x4: {  	s9 =	simm.s32 $0x1;
	s3 =	sand.u32 $0x1, s1;
	s5 =	sshll.u32 s0, $0x1  }
0x5: {  	s10 =	simm.s32 $0xD00;
	s11 =	simm.s32 $0x0;
	s5 =	sor.u32 s3, s5  }
0x6: {  	[smem:$0x7FF] =	sst s2;
	s6 =	ssub.s32 $0x2, s3;
	s5 =	smul.u32 $0x1A0, s5  }
0x7: {  	s1 =	rddreg [dreg:$0x1];
	_ =	strace $0x8000004A;
	s31 =	sshrl.u32 s6, $0x1  }
0x8: {  	s3 =	sadd.s32 $0x27DAC00, s4;
	s6 =	ssub.s32 s6, s31;
	s5 =	sadd.s32 s5, s4  }
0x9: {  	s6 =	smax.u32 s6, $0x1;
	s4 =	sadd.s32 $0x27D7800, s5;
	s5 =	sadd.s32 $0x282A200, s5  }
.LBB2_1:
0xa: {  	[tilespmem:s2], [sflag:$0x2] =	stream.linear.gather [hbm4b:s4+s2], $0xD00, $0x38;
	[tilespmem:$0x1A00] =	vst v63  }
0xb: {  	_ =	swait.ge [sflag:s7], $0xD00  }
0xc: {  	[sflag:s7] =	ssyncset.done $0x0  }
0xd: {  	s12 =	simm.s32 $0x0;
	s13 =	simm.s32 $0xD00;
	[sflag:s7] =	ssyncadd.s32 $0xFFFFF300  }
0xe: {  	[tilespmem:s13], [sflag:$0x1] =	stream.indirect.gather [hbm4b:s3+s8], $0x1, s12, s8, $0xb8;
	[tilespmem:$0x1A00] =	vst v63  }
0xf: {  	s12 =	simm.s32 $0x200;
	_ =	swait.ge [sflag:s9], $0x80  }
.LBB2_2:
0x10: {  	s13 =	sshra.s32 s12, $0x2;
	[sflag:s9] =	ssyncset.done $0x0;
	p0 =	sne.s32 s12, $0x3200  }
.Ltmp0:
0x11: {  	s14 =	sadd.s32 $0xD00, s13;
	[sflag:s9] =	ssyncadd.s32 $0xFFFFFF80;
	(pc) =	sbr.rel @p0 .LBB2_2-.Ltmp0, $3  }
0x12: {  	[tilespmem:s14], [sflag:$0x1] =	stream.indirect.gather [hbm4b:s3+s8], $0x1, s13, s8, $0xb8;
	[tilespmem:$0x1A00] =	vst v63  }
0x13: {  	s12 =	sadd.s32 $0x200, s12;
	_ =	sdelay $0x1  }
0x14: {  	_ =	swait.ge [sflag:s9], $0x80  }
0x15: {  	s11 =	sadd.s32 $0x1, s11  }
0x16: {  	[sflag:s9] =	ssyncset.done $0x0;
	p0 =	sne.s32 s11, s6  }
.Ltmp1:
0x17: {  	[sflag:s9] =	ssyncadd.s32 $0xFFFFFF80;
	(pc) =	sbr.rel @p0 .LBB2_1-.Ltmp1, $4  }
0x18: {  	[hbm4b:s5+s2] =	stream.linear.scatter [tilespmem:s10], [sflag:$0x2], $0xD00, $0x38;
	[tilespmem:$0x1A00] =	vst v63  }
0x19: {  	_ =	swait.ge [sflag:s7], $0xD00  }
0x1a: {  	[sflag:s7] =	ssyncset.done $0x0  }
0x1b: {  	[sflag:s7] =	ssyncadd.s32 $0xFFFFF300  }
0x1c: {  	_ =	sfence.sel $0x180000  }
0x1d: {  	[bflag:$0x0] =	sbarrier.arrive $0xFFFF  }
0x1e: {  	p0 =	sne.s32 s0, $0x0;
	_ =	strace $0x9000004A  }
0x1f: {  	s0 =	sadd.s32 @!p0 $0x100000, s1;
	[bflag:$0x2] =	sbarrier.arrive $0xFFFF  }
0x20: {  	[sflag:s0] =	ssyncadd.tile.s32 @!p0 $0x1;
	_ =	shalt  }
.Lfunc_end2:
_tile_overlayer_lowered:
.L_overlay_start_2:
0x21: {  	(tag) =	ssettag $0x2  }
0x22: {  	s0 =	rddreg [dreg:$0x0];
	s2 =	stileid.u32  }
0x23: {  	s1 =	rddreg [dreg:$0x1];
	p0 =	sne.s32 s2, $0x0  }
0x24: {  	s3 =	rddreg [dreg:$0x2];
	[bflag:$0x3] =	sbarrier.arrive $0xFFFF;
	s2 =	simm.s32 @!p0 $0x1C02  }
0x25: {  	[timem:s3], [sflag:s2] =	dma.local @!p0 [hbm:s0], s1  }
0x26: {  	s0 =	simm.s32 @!p0 $0x2  }
0x27: {  	_ =	swait.ge @!p0 [sflag:s0], s1  }
0x28: {  	s1 =	ssub.s32 @!p0 $0x0, s1;
	[sflag:s0] =	ssyncset.done @!p0 $0x0  }
0x29: {  	[sflag:s0] =	ssyncadd.s32 @!p0 s1  }
0x2a: {  	[bflag:$0x3] =	sbarrier.arrive $0xFFFF  }
0x2b: {  	_ =	shalt  }

// kernel: sparse-core-data-format-call.cloned.1.call-start
scs
called_computation_lowered:
.L_overlay_start_0:
0x0: {  	s2 =	sld [smem:$0x3FD9]  }
0x1: {  	s3 =	sld [smem:$0x3FFE];
	_ =	sdelay $0x1  }
0x2: {  	s1 =	srdreg.scid  }
0x3: {  	s0 =	sand.u32 $0x1, s1  }
0x4: {  	s18 =	sshll.u32 s0, $0xA;
	s2 =	sadd.s32 s3, s2  }
0x5: {  	s2 =	sadd.s32 s2, s18  }
0x6: {  	[smem:$0x3F67] =	sst s2  }
0x7: {  	_ = 	snop  }
0x8: {  	s2 =	sld [smem:$0x3F72];
	(tm) =	ssettm $0x1  }
0x9: {  	s19 =	sld [smem:$0x3FFB];
	_ =	sdelay $0x3  }
0xa: {  	_ =	strace s19  }
0xb: {  	s3 =	sld [smem:$0x3FFC];
	_ =	sdelay $0x3  }
0xc: {  	_ =	strace s3  }
0xd: {  	s3 =	sld [smem:$0x3FFD];
	_ =	sdelay $0x3  }
0xe: {  	_ =	strace s3  }
0xf: {  	_ =	strace $0x8FFFFFFF  }
0x10: {  	s20 =	sld [smem:$0x3FDB];
	_ =	sdelay $0x1  }
0x11: {  	s4 =	simm.s32 $_scs_section_size  }
0x12: {  	s5 =	simm.s32 $_size__tile_overlayer_lowered;
	s6 =	simm.s32 $_tile_overlayer_lowered  }
0x13: {  	s23 =	simm.s32 $0x1BFF;
	s22 =	sshll.u32 s6, $0x1;
	s3 =	sadd.s32 s4, s20  }
0x14: {  	s7 =	simm.s32 $0x0;
	s21 =	sshll.u32 s5, $0x1;
	s5 =	sadd.s32 s22, s3  }
0x15: {  	[timem:s7], [sflag:s23] =	dma.local [hbm:s5], s21  }
0x16: {  	_ =	swait.ge [sflag:s23], s21  }
0x17: {  	s4 =	ssub.s32 $0x0, s21;
	[sflag:s23] =	ssyncset.done $0x0  }
0x18: {  	[sflag:s23] =	ssyncadd.s32 s4;
	_ =	sdelay $0x1  }
0x19: {  	s24 =	simm.s32 $0x1B8B  }
0x1a: {  	_ =	swait.ge [sflag:s24], $0x1  }
0x1b: {  	[sflag:s24] =	ssyncset.done $0x0  }
0x1c: {  	s26 =	simm.s32 $0x1B8E;
	s25 =	sld [smem:$0x3FFE];
	[sflag:s24] =	ssyncadd.s32 $0xFFFFFFFF  }
0x1d: {  	s27 =	simm.s32 $execute0_lowered;
	[smem:$0x3FD2] =	sst s26  }
0x1e: {  	s5 =	sshll.u32 s27, $0x1;
	_ =	strace $0x80000046;
	[dreg:$0x1] =	wrdreg $0xFFFFFFFF  }
0x1f: {  	s28 =	simm.s32 $_size_execute0_lowered;
	s3 =	sadd.s32 s3, s5;
	[dreg:$0x0] =	wrdreg $0x0  }
0x20: {  	s5 =	sshll.u32 s28, $0x1;
	[dreg:$0x2] =	wrdreg s3  }
0x21: {  	[dreg:$0x3] =	wrdreg s5  }
0x22: {  	[dreg:$0x4] =	wrdreg $0xC0  }
0x23: {  	_ =	task [dreg:s7], $0x5FFFF  }
0x24: {  	[dreg:$0x1] =	wrdreg $0xFFFFFFFF  }
0x25: {  	[dreg:$0x0] =	wrdreg $0x60  }
0x26: {  	[dreg:$0x2] =	wrdreg s2  }
0x27: {  	[dreg:$0x3] =	wrdreg s25  }
0x28: {  	[dreg:$0x4] =	wrdreg $0xA  }
0x29: {  	_ =	task.clear_ibuf [dreg:s7], $0x5FFFF;
	_ =	strace $0x90000046  }
0x2a: {  	s29 =	simm.s32 $0xA;
	_ =	strace $0x80000048  }
0x2b: {  	_ =	swait.ge [sflag:s29], $0x1  }
0x2c: {  	[sflag:s29] =	ssyncadd.s32 $0xFFFFFFFF  }
0x2d: {  	_ =	strace $0x90000048  }
0x2e: {  	_ =	sfence  }
0x2f: {  	s30 =	sld [smem:$0x0];
	_ =	sdelay $0x2  }
0x30: {  	s31 =	sshll.u32 s1, $0xD;
	s1 =	sshrl.u32 s1, $0x2  }
0x31: {  	s3 =	sand.u32 $0x4000, s31;
	s1 =	sadd.s32 s1, s30  }
0x32: {  	s0 =	sor.u32 s3, s0;
	s1 =	sshll.u32 s1, $0x11  }
0x33: {  	s0 =	sor.u32 s1, s0  }
0x34: {  	s0 =	sadd.s32 $0x8F2B, s0  }
0x35: {  	[sflag:s0] =	ssyncadd.remote.s32 $0x1  }
0x36: {  	_ =	sfence.sel $0xFFFF  }
0x37: {  	[dreg:$0x0] =	wrdreg $0xFFFFFFFF;
	(pc) =	sbr.abs _section_cstart, $3  }
0x38: {  	[dreg:$0x1] =	wrdreg $0xFFFFFFFF  }
0x39: {  	_ =	task.clear_ibuf [dreg:s7], $0x2FFFF;
	_ =	strace $0x9FFFFFFF  }
0x3a: {  	(tm) =	ssettm $0x7FFFFFFF  }
0x3b: {  	_ =	shalt  }
tec
execute0_lowered:
.L_overlay_start_1:
0x0: {  	(tag) =	ssettag $0x1  }
0x1: {  	s2 =	rddreg [dreg:$0x0]  }
0x2: {  	s0 =	srdreg.scid;
	s5 =	rddreg [dreg:$0x1]  }
0x3: {  	s31 =	simm.s32 $0x2;
	s16 =	simm.s32 $0x0;
	p0 =	por $0x0, $0x0  }
0x4: {  	s8 =	simm.s32 $0x80;
	s17 =	simm.s32 $0x0;
	s1 =	sshll.u32 s0, $0x4  }
0x5: {  	s18 =	simm.s32 $0x0;
	s0 =	stileid.u32;
	s1 =	sand.u32 $0x10, s1  }
0x6: {  	s9 =	simm.s32 $0x0;
	s10 =	simm.s32 $0x0;
	s1 =	sor.u32 s0, s1  }
0x7: {  	s11 =	simm.s32 $0x0;
	s13 =	simm.s32 $0x0;
	s3 =	sshll.u32 s1, $0x8  }
.Ltmp0:
0x8: {  	s14 =	simm.s32 $0x0;
	s4 =	ssub.s32 $0x18600, s3;
	(pc) =	sbr.rel .LBB1_1-.Ltmp0, $4  }
0x9: {  	s15 =	simm.s32 $0x0;
	s1 =	rddreg [dreg:$0x2];
	s6 =	sshrl.u32 s4, $0xD  }
0xa: {  	_ =	strace $0x80000047;
	s4 =	simm.s32 $0x1;
	s7 =	smul.u32 $0x1A, s6  }
0xb: {  	s5 =	sadd.s32 $0x7400, s5;
	s12 =	smov.u32 s3;
	[sflag:s4] =	ssyncpa.u1 $0x0  }
0xc: {  	[sflag:s31] =	ssyncpa.u1 $0x0;
	s6 =	sadd.s32 $0x1A, s7;
	s7 =	sadd.s32 $0x1B, s7  }
.LBB1_5:
0xd: {  	p1 =	slt.u32 s15, $0x2  }
0xe: {  	s19 =	smov.u32 s18;
	p2 =	sgt.s32 @!p1 s18, $0x19  }
0xf: {  	s20 =	sshra.s32 @!p1 s18, $0x1F;
	p3 =	sgt.s32 @!p1 s16, $0x185A0;
	p4 =	sgt.s32 @!p1 s17, $0x70  }
0x10: {  	s21 =	sshra.s32 @!p1 s17, $0x1F;
	p2 =	por !p2, p1;
	s18 =	sand.u32 @!p1 s20, s18  }
0x11: {  	p4 =	por !p4, p1;
	s20 =	smov.u32 s17;
	s19 =	simm.s32 @p2 $0x19  }
0x12: {  	s17 =	sand.u32 @!p1 s21, s17;
	s20 =	simm.s32 @p4 $0x70;
	s18 =	ssub.s32 @!p1 s19, s18  }
0x13: {  	p3 =	por !p3, p1;
	s17 =	ssub.s32 @!p1 s20, s17;
	s19 =	sadd.s32 @!p1 $0xFFFFFFE7, s18  }
0x14: {  	s20 =	sshra.s32 @!p1 s16, $0x1F;
	s18 =	ssub.s32 @!p1 $0x1A, s18;
	p2 =	sgt.s32 @!p1 s19, $0x0  }
0x15: {  	s19 =	smov.u32 s16;
	s16 =	sand.u32 @!p1 s20, s16;
	s20 =	sadd.s32 @!p1 $0xFFFFFF90, s17  }
0x16: {  	s17 =	ssub.s32 @!p1 $0x80, s17;
	s19 =	simm.s32 @p3 $0x185A0;
	p2 =	por !p2, p1  }
0x17: {  	s18 =	simm.s32 @!p2 $0x0;
	s16 =	ssub.s32 @!p1 s19, s16;
	p2 =	sgt.s32 @!p1 s20, $0xF  }
0x18: {  	s20 =	smov.u32 s13;
	s19 =	sadd.s32 @!p1 $0xFFFE7A60, s16;
	p2 =	por !p2, p1  }
0x19: {  	s16 =	ssub.s32 @!p1 $0x186A0, s16;
	s17 =	simm.s32 @!p2 $0x0;
	p2 =	sgt.s32 @!p1 s19, $0xFF  }
0x1a: {  	s19 =	sadd.s32 $0x2000, s12;
	p2 =	por !p2, p1;
	s17 =	smul.u32 @!p1 s18, s17  }
0x1b: {  	s18 =	sadd.s32 $0x10, s13;
	s16 =	simm.s32 @!p2 $0x0;
	p2 =	sgt.s32 s19, $0x1869F  }
0x1c: {  	s16 =	smul.u32 @!p1 s16, s17;
	s20 =	smov.u32 @p2 s18  }
0x1d: {  	s19 =	smov.u32 @p2 s3;
	s17 =	simm.s32 $0x1;
	p2 =	sgt.s32 s20, $0xF  }
0x1e: {  	s17 =	simm.s32 @!p2 $0x0  }
0x1f: {  	p0 =	por !p0, !p0;
	s23 =	sadd.s32 s17, s14  }
0x20: {  	s21 =	simm.s32 @!p1 $0x2;
	s20 =	simm.s32 @p2 $0x0;
	p2 =	sgt.s32 s23, $0x19  }
0x21: {  	s18 =	smov.u32 s11;
	s23 =	simm.s32 @p2 $0x0;
	p2 =	sne.s32 s15, s7  }
.Ltmp1:
0x22: {  	s11 =	smov.u32 s14;
	s16 =	sand.u32 @!p1 $0x3FFFFFFF, s16;
	(pc) =	sbr.rel @!p2 .LBB1_6-.Ltmp1, $4  }
0x23: {  	_ =	swait.ge @!p1 [sflag:s21], s16;
	s22 =	ssub.s32 @!p1 $0x0, s16;
	s16 =	smov.u32 s9  }
0x24: {  	s17 =	smov.u32 s10;
	s9 =	smov.u32 s12;
	s10 =	smov.u32 s13  }
0x25: {  	s12 =	smov.u32 s19;
	s13 =	smov.u32 s20;
	[sflag:s21] =	ssyncset.done @!p1 $0x0  }
0x26: {  	s15 =	sadd.s32 $0x1, s15;
	[sflag:s21] =	ssyncadd.s32 @!p1 s22;
	s14 =	smov.u32 s23  }
.LBB1_1:
0x27: {  	p1 =	sge.u32 s15, s6  }
0x28: {  	s19 =	sshrl.u32 @!p1 s13, $0x3  }
0x29: {  	s20 =	sshll.u32 @!p1 s12, $0x3;
	s19 =	smul.u32 @!p1 $0xC3800, s19  }
0x2a: {  	s21 =	sshll.u32 @!p1 s13, $0x7;
	s20 =	sand.u32 @!p1 $0xFFFFFC00, s20  }
0x2b: {  	s19 =	sadd.s32 @!p1 s19, s20;
	s20 =	sand.u32 @!p1 $0x380, s21  }
0x2c: {  	s21 =	sand.u32 @!p1 $0x7F, s12;
	s19 =	sor.u32 @!p1 s20, s19  }
0x2d: {  	s20 =	sor.u32 @!p1 s21, s19  }
0x2e: {  	s21 =	smulhi.u32 @!p1 $0xA79C7B17, s20  }
0x2f: {  	s19 =	smulhi.u32 @!p1 $0xA79C7B17, s19  }
0x30: {  	s21 =	sshrl.u32 @!p1 s21, $0x10  }
0x31: {  	s19 =	sshrl.u32 @!p1 s19, $0x10;
	s21 =	smul.u32 @!p1 $0x18700, s21  }
0x32: {  	s22 =	sxor.u32 @!p1 $0xFFFFFFFF, s15;
	s23 =	smul.u32 @!p1 $0x30E00, s14;
	s19 =	sand.u32 @!p1 $0xF, s19  }
0x33: {  	s22 =	sshll.u32 @!p1 s22, $0xC;
	s19 =	smul.u32 @!p1 $0x30E0, s19;
	s20 =	ssub.s32 @!p1 s20, s21  }
0x34: {  	s21 =	sand.u32 @!p1 $0x1000, s22;
	s22 =	sadd.s32 @!p1 s2, s23;
	s23 =	sand.u32 @!p1 $0x7, s20  }
0x35: {  	s20 =	sshrl.u32 @!p1 s20, $0x3;
	s19 =	sadd.s32 @!p1 s19, s22;
	s22 =	sshll.u32 @!p1 s23, $0x12  }
0x36: {  	s19 =	sadd.s32 @!p1 s20, s19;
	s20 =	sor.u32 @!p1 $0x800, s22;
	s22 =	simm.s32 @!p1 $0xC3800  }
0x37: {  	[tilespmem:s21], [sflag:$0x1] =	stream.strided.gather @!p1 [hbm4b:s19+s20], $0x1000, s22, s20, $0x38;
	[tilespmem:$0x4200] =	vst v63  }
0x38: {  	p1 =	seq.s32 s15, $0x0  }
0x39: {  	p2 =	sge.u32 @!p1 s15, s7  }
0x3a: {  	p1 =	por p1, p2  }
.Ltmp2:
0x3b: {  	_ = 	snop;
	(pc) =	sbr.rel @p1 .LBB1_5-.Ltmp2, $1  }
0x3c: {  	_ =	sdelay $0x3  }
0x3d: {  	s21 =	simm.s32 $0x0  }
0x3e: {  	s22 =	sand.u32 $0x800, s21;
	s23 =	sand.u32 $0x380, s21  }
0x3f: {  	s19 =	sand.u32 $0x1, s15;
	s23 =	sor.u32 s23, s22  }
0x40: {  	_ =	swait.ge [sflag:s4], $0x1000;
	s20 =	sshll.u32 s19, $0xC;
	s22 =	sand.u32 $0xB00, s23  }
0x41: {  	[sflag:s4] =	ssyncset.done $0x0;
	s21 =	sand.u32 $0x80, s21;
	s22 =	sadd.s32 s22, s20  }
0x42: {  	[sflag:s4] =	ssyncadd.s32 $0xFFFFF000;
	s25 =	sadd.s32 s21, s22  }
0x43: {  	v4 =	vld [tilespmem:s25+$0x400]  }
0x44: {  	s24 =	simm.s32 $0x1;
	v5 =	vld [tilespmem:s25+$0x0]  }
0x45: {  	s24 =	simm.s32 @!p0 $0x0;
	v6 =	vld [tilespmem:s25+$0x10]  }
0x46: {  	v0 =	vmov s20;
	s31 =	smul.u32 $0x4400, s24;
	v7 =	vld [tilespmem:s25+$0x20]  }
0x47: {  	v9 =	vld [tilespmem:s25+$0x30]  }
0x48: {  	s21 =	sshrl.u32 s31, $0x2;
	v10 =	vld [tilespmem:s25+$0x40]  }
0x49: {  	s21 =	sor.u32 $0x2000, s21;
	v11 =	vld [tilespmem:s25+$0x50]  }
0x4a: {  	v8 =	vld [tilespmem:s25+$0x60];
	s22 =	sadd.s32 $0x0, s21  }
0x4b: {  	v1 =	vld.idx.msk [tilespmem:v0+s23+$0x410 ss:$0x1], $0xffff;
	[tilespmem:s22+$0x880 ss:$0x11] =	vst.msk $0xffff, v4  }
0x4c: {  	v2 =	vld.idx.msk [tilespmem:v0+s23+$0x420 ss:$0x1], $0xffff;
	[tilespmem:s22+$0x0 ss:$0x11] =	vst.msk $0xffff, v5  }
0x4d: {  	v3 =	vld.idx.msk [tilespmem:v0+s23+$0x430 ss:$0x1], $0xffff;
	[tilespmem:s22+$0x110 ss:$0x11] =	vst.msk $0xffff, v6  }
0x4e: {  	s19 =	smul.u32 $0x4400, s19;
	[tilespmem:s22+$0x220 ss:$0x11] =	vst.msk $0xffff, v7;
	v7 =	vld [tilespmem:s25+$0x70]  }
0x4f: {  	s26 =	simm.s32 $0x80;
	s27 =	simm.s32 $0x8;
	[tilespmem:s22+$0x330 ss:$0x11] =	vst.msk $0xffff, v9;
	v4 =	vld.idx.msk [tilespmem:v0+s23+$0x440 ss:$0x1], $0xffff  }
0x50: {  	s29 =	sand.u32 $0x380, s26;
	s19 =	sshrl.u32 s19, $0x2;
	[tilespmem:s22+$0x440 ss:$0x11] =	vst.msk $0xffff, v10;
	v5 =	vld.idx.msk [tilespmem:v0+s23+$0x450 ss:$0x1], $0xffff;
	s25 =	simm.s32 $0x100  }
0x51: {  	s24 =	simm.s32 $0x4;
	s19 =	sor.u32 $0x2000, s19;
	[tilespmem:s22+$0x550 ss:$0x11] =	vst.msk $0xffff, v11;
	v6 =	vld.idx.msk [tilespmem:v0+s23+$0x460 ss:$0x1], $0xffff;
	s28 =	sand.u32 $0x800, s25  }
.LBB1_3:
0x52: {  	p1 =	sne.s32 s27, $0x3C;
	[tilespmem:s22+$0x660 ss:$0x11] =	vst.msk $0xffff, v8;
	v8 =	vld.idx.msk [tilespmem:v0+s23+$0x470 ss:$0x1], $0xffff;
	s23 =	sor.u32 s29, s28  }
0x53: {  	s28 =	sand.u32 $0xB00, s23;
	v9 =	vld.idx.msk [tilespmem:v0+s23+$0x410 ss:$0x1], $0xffff;
	[tilespmem:s22+$0x770 ss:$0x11] =	vst.msk $0xffff, v7  }
0x54: {  	s29 =	sand.u32 $0x80, s26;
	s28 =	sadd.s32 s28, s20;
	v7 =	vld.idx.msk [tilespmem:v0+s23+$0x420 ss:$0x1], $0xffff;
	[tilespmem:s22+$0x990 ss:$0x11] =	vst.msk $0xffff, v1  }
0x55: {  	s28 =	sadd.s32 s29, s28;
	v10 =	vld.idx.msk [tilespmem:v0+s23+$0x430 ss:$0x1], $0xffff;
	[tilespmem:s22+$0xAA0 ss:$0x11] =	vst.msk $0xffff, v2  }
0x56: {  	v11 =	vld [tilespmem:s28+$0x400];
	[tilespmem:s22+$0xBB0 ss:$0x11] =	vst.msk $0xffff, v3  }
0x57: {  	v12 =	vld [tilespmem:s28+$0x0];
	[tilespmem:s22+$0xCC0 ss:$0x11] =	vst.msk $0xffff, v4  }
0x58: {  	v4 =	vld [tilespmem:s28+$0x10];
	[tilespmem:s22+$0xDD0 ss:$0x11] =	vst.msk $0xffff, v5  }
0x59: {  	s29 =	sshra.s32 s24, $0x2;
	s24 =	smov.u32 s27;
	v1 =	vmov v9;
	v5 =	vld [tilespmem:s28+$0x20];
	[tilespmem:s22+$0xEE0 ss:$0x11] =	vst.msk $0xffff, v6  }
0x5a: {  	v2 =	vmov v7;
	v6 =	vld [tilespmem:s28+$0x30];
	[tilespmem:s22+$0xFF0 ss:$0x11] =	vst.msk $0xffff, v8;
	s22 =	sadd.s32 s29, s21  }
0x5b: {  	v3 =	vmov v10;
	v9 =	vld [tilespmem:s28+$0x40];
	[tilespmem:s22+$0x880 ss:$0x11] =	vst.msk $0xffff, v11  }
0x5c: {  	[tilespmem:s22+$0x0 ss:$0x11] =	vst.msk $0xffff, v12;
	v10 =	vld [tilespmem:s28+$0x50]  }
.Ltmp3:
0x5d: {  	[tilespmem:s22+$0x110 ss:$0x11] =	vst.msk $0xffff, v4;
	v8 =	vld [tilespmem:s28+$0x60];
	(pc) =	sbr.rel @p1 .LBB1_3-.Ltmp3, $4  }
0x5e: {  	[tilespmem:s22+$0x220 ss:$0x11] =	vst.msk $0xffff, v5;
	v7 =	vld [tilespmem:s28+$0x70]  }
0x5f: {  	[tilespmem:s22+$0x330 ss:$0x11] =	vst.msk $0xffff, v6;
	v4 =	vld.idx.msk [tilespmem:v0+s23+$0x440 ss:$0x1], $0xffff  }
0x60: {  	s26 =	sadd.s32 $0x80, s26;
	s25 =	sadd.s32 $0x100, s25;
	[tilespmem:s22+$0x440 ss:$0x11] =	vst.msk $0xffff, v9;
	v5 =	vld.idx.msk [tilespmem:v0+s23+$0x450 ss:$0x1], $0xffff  }
0x61: {  	s27 =	sadd.s32 $0x4, s27;
	s29 =	sand.u32 $0x380, s26;
	s28 =	sand.u32 $0x800, s25;
	[tilespmem:s22+$0x550 ss:$0x11] =	vst.msk $0xffff, v10;
	v6 =	vld.idx.msk [tilespmem:v0+s23+$0x460 ss:$0x1], $0xffff  }
0x62: {  	_ =	sdelay $0x3  }
0x63: {  	s25 =	sor.u32 s29, s28;
	v47 =	vld.idx.msk [tilespmem:v0+s23+$0x470 ss:$0x1], $0xffff  }
0x64: {  	[tilespmem:s22+$0x660 ss:$0x11] =	vst.msk $0xffff, v8;
	v57 =	vld.idx.msk [tilespmem:v0+s25+$0x410 ss:$0x1], $0xffff  }
0x65: {  	[tilespmem:s22+$0x990 ss:$0x11] =	vst.msk $0xffff, v1;
	v58 =	vld.idx.msk [tilespmem:v0+s25+$0x420 ss:$0x1], $0xffff  }
0x66: {  	[tilespmem:s22+$0xAA0 ss:$0x11] =	vst.msk $0xffff, v2;
	v59 =	vld.idx.msk [tilespmem:v0+s25+$0x430 ss:$0x1], $0xffff  }
0x67: {  	[tilespmem:s22+$0xBB0 ss:$0x11] =	vst.msk $0xffff, v3;
	v60 =	vld.idx.msk [tilespmem:v0+s25+$0x440 ss:$0x1], $0xffff  }
0x68: {  	s26 =	sand.u32 $0x80, s26;
	s27 =	sand.u32 $0xB00, s25;
	[tilespmem:s22+$0x770 ss:$0x11] =	vst.msk $0xffff, v7;
	v61 =	vld.idx.msk [tilespmem:v0+s25+$0x450 ss:$0x1], $0xffff  }
0x69: {  	s29 =	sshll.u32 s10, $0x3;
	p1 =	sgt.s32 s11, $0x19;
	v62 =	vld.idx.msk [tilespmem:v0+s25+$0x460 ss:$0x1], $0xffff;
	s20 =	sadd.s32 s27, s20;
	[tilespmem:s22+$0xCC0 ss:$0x11] =	vst.msk $0xffff, v4  }
0x6a: {  	p2 =	sgt.s32 s10, $0x70;
	s31 =	sand.u32 $0xFFFFFC00, s29;
	v63 =	vld.idx.msk [tilespmem:v0+s25+$0x470 ss:$0x1], $0xffff;
	s23 =	sadd.s32 s26, s20;
	[tilespmem:s22+$0xDD0 ss:$0x11] =	vst.msk $0xffff, v5  }
0x6b: {  	s24 =	sshra.s32 s24, $0x2;
	s29 =	sshra.s32 s11, $0x1F;
	s25 =	smul.u32 $0x186A00, s11;
	v48 =	vld [tilespmem:s23+$0x400];
	[tilespmem:s22+$0xEE0 ss:$0x11] =	vst.msk $0xffff, v6  }
0x6c: {  	s26 =	sshll.u32 s9, $0x7;
	s20 =	sadd.s32 s24, s21;
	s24 =	sand.u32 s29, s11;
	v49 =	vld [tilespmem:s23+$0x0];
	[tilespmem:s22+$0xFF0 ss:$0x11] =	vst.msk $0xffff, v47  }
0x6d: {  	s29 =	sshra.s32 s9, $0x1F;
	v50 =	vld [tilespmem:s23+$0x10];
	s30 =	sand.u32 $0xFFFFFC00, s26;
	s28 =	sand.u32 $0x380, s26;
	[tilespmem:s20+$0x990 ss:$0x11] =	vst.msk $0xffff, v57  }
0x6e: {  	v51 =	vld [tilespmem:s23+$0x20];
	s27 =	sadd.s32 s31, s30;
	s22 =	smov.u32 s11;
	s31 =	sshra.s32 s10, $0x1F;
	[tilespmem:s20+$0xAA0 ss:$0x11] =	vst.msk $0xffff, v58  }
0x6f: {  	v52 =	vld [tilespmem:s23+$0x30];
	s21 =	sor.u32 s28, s27;
	s22 =	simm.s32 @!p1 $0x19;
	s28 =	sand.u32 s31, s10;
	[tilespmem:s20+$0xBB0 ss:$0x11] =	vst.msk $0xffff, v59  }
0x70: {  	v53 =	vld [tilespmem:s23+$0x40];
	s27 =	smov.u32 s9;
	[tilespmem:s20+$0xCC0 ss:$0x11] =	vst.msk $0xffff, v60;
	s21 =	sshrl.u32 s21, $0x7;
	s22 =	ssub.s32 s22, s24  }
0x71: {  	v54 =	vld [tilespmem:s23+$0x50];
	[tilespmem:s20+$0xDD0 ss:$0x11] =	vst.msk $0xffff, v61;
	s24 =	smov.u32 s10;
	s26 =	smulhi.u32 $0x14F8B59, s21;
	s30 =	sadd.s32 $0xFFFFFFE7, s22  }
0x72: {  	v55 =	vld [tilespmem:s23+$0x60];
	[tilespmem:s20+$0xEE0 ss:$0x11] =	vst.msk $0xffff, v62;
	s24 =	simm.s32 @!p2 $0x70;
	p2 =	sgt.s32 s9, $0x185A0;
	s22 =	ssub.s32 $0x1A, s22  }
0x73: {  	v56 =	vld [tilespmem:s23+$0x70];
	[tilespmem:s20+$0xFF0 ss:$0x11] =	vst.msk $0xffff, v63;
	p1 =	sgt.s32 s30, $0x0;
	s23 =	ssub.s32 s24, s28;
	s27 =	simm.s32 @!p2 $0x185A0  }
0x74: {  	[tilespmem:s20+$0x880 ss:$0x11] =	vst.msk $0xffff, v48;
	s24 =	sand.u32 s29, s9;
	s28 =	sand.u32 $0x7, s10;
	s26 =	sshrl.u32 s26, $0x9  }
0x75: {  	[tilespmem:s20+$0x0 ss:$0x11] =	vst.msk $0xffff, v49;
	s24 =	ssub.s32 s27, s24;
	s30 =	sadd.s32 $0xFFFFFF90, s23;
	s22 =	simm.s32 @p1 $0x0  }
0x76: {  	[tilespmem:s20+$0x110 ss:$0x11] =	vst.msk $0xffff, v50;
	s23 =	ssub.s32 $0x80, s23;
	s27 =	sshrl.u32 s10, $0x3;
	p1 =	sgt.s32 s30, $0xF  }
0x77: {  	[tilespmem:s20+$0x220 ss:$0x11] =	vst.msk $0xffff, v51;
	s26 =	smul.u32 $0x186A0, s26;
	s31 =	sadd.s32 $0xFFFE7A60, s24;
	s23 =	simm.s32 @p1 $0x0  }
0x78: {  	[tilespmem:s20+$0x330 ss:$0x11] =	vst.msk $0xffff, v52;
	s24 =	ssub.s32 $0x186A0, s24;
	p1 =	sgt.s32 s31, $0xFF;
	s22 =	smul.u32 s22, s23  }
.Ltmp4:
0x79: {  	[tilespmem:s20+$0x440 ss:$0x11] =	vst.msk $0xffff, v53;
	s24 =	simm.s32 @p1 $0x0;
	s21 =	ssub.s32 s21, s26;
	(pc) =	sbr.rel .LBB1_5-.Ltmp4, $4  }
0x7a: {  	[tilespmem:s20+$0x550 ss:$0x11] =	vst.msk $0xffff, v54;
	s23 =	sadd.s32 s5, s25;
	s22 =	smul.u32 s24, s22;
	s24 =	sand.u32 $0xF, s27  }
0x7b: {  	[tilespmem:s20+$0x660 ss:$0x11] =	vst.msk $0xffff, v55;
	s29 =	sshll.u32 s28, $0x12;
	s21 =	sshll.u32 s21, $0x4;
	s23 =	sadd.s32 s24, s23  }
0x7c: {  	[tilespmem:s20+$0x770 ss:$0x11] =	vst.msk $0xffff, v56;
	s31 =	sor.u32 $0x10, s29;
	s30 =	sand.u32 $0x3FFFFFFF, s22;
	s21 =	sadd.s32 s21, s23  }
0x7d: {  	[hbm4b:s21+s31] =	stream.strided.scatter [tilespmem:s19], [sflag:$0x2], s30, s8, s31, $0x8;
	[tilespmem:$0x4200] =	vst v63  }
.LBB1_6:
0x7e: {  	_ =	sfence.sel $0x180000  }
0x7f: {  	s2 =	simm.s32 $0x1;
	[bflag:$0x0] =	sbarrier.arrive $0xFFFF  }
0x80: {  	s31 =	simm.s32 $0x2;
	[sflag:s2] =	ssyncpa.u1 $0x1  }
0x81: {  	[sflag:s31] =	ssyncpa.u1 $0x1  }
0x82: {  	p0 =	sne.s32 s0, $0x0;
	_ =	strace $0x90000047  }
0x83: {  	s0 =	sadd.s32 @!p0 $0x100000, s1;
	[bflag:$0x2] =	sbarrier.arrive $0xFFFF  }
0x84: {  	[sflag:s0] =	ssyncadd.tile.s32 @!p0 $0x1;
	_ =	shalt  }
.Lfunc_end1:
_tile_overlayer_lowered:
.L_overlay_start_2:
0x85: {  	(tag) =	ssettag $0x2  }
0x86: {  	s0 =	rddreg [dreg:$0x0];
	s2 =	stileid.u32  }
0x87: {  	s1 =	rddreg [dreg:$0x1];
	p0 =	sne.s32 s2, $0x0  }
0x88: {  	s3 =	rddreg [dreg:$0x2];
	[bflag:$0x3] =	sbarrier.arrive $0xFFFF;
	s2 =	simm.s32 @!p0 $0x1C01  }
0x89: {  	[timem:s3], [sflag:s2] =	dma.local @!p0 [hbm:s0], s1  }
0x8a: {  	s0 =	simm.s32 @!p0 $0x1  }
0x8b: {  	_ =	swait.ge @!p0 [sflag:s0], s1  }
0x8c: {  	s1 =	ssub.s32 @!p0 $0x0, s1;
	[sflag:s0] =	ssyncset.done @!p0 $0x0  }
0x8d: {  	[sflag:s0] =	ssyncadd.s32 @!p0 s1  }
0x8e: {  	[bflag:$0x3] =	sbarrier.arrive $0xFFFF  }
0x8f: {  	_ =	shalt  }

</sc_bundles>
